<compile_context>
chip_gen: v7x
topology: tpu7x:2x2x1
jax: 0.10.2.dev20260603
libtpu: 0.0.44.dev20260713+nightly
codegen_flags: <defaults>
</compile_context>

<pallas_src>
import functools

import jax
import jax.numpy as jnp
from jax import lax
from jax.experimental import pallas as pl
from jax.experimental.pallas import tpu as pltpu
from jax.experimental.pallas import tpu_sc as plsc

B = 4096
M = 50
MP = 64
D = 64
NU = 100000

NC = 2
NS = 16
NW = NC * NS

ROWS = B * MP
RPW = ROWS // NW
CH = 128
NCHUNK = RPW // CH
BPW = B // NW
NBUF = 4


def _sc_gather(mids2d, item_ids, gro_ids, u2e_w, v2e_w, g2e_w):
    mesh = plsc.VectorSubcoreMesh(core_axis_name="c", subcore_axis_name="s")

    @functools.partial(
        pl.kernel,
        mesh=mesh,
        out_type=[
            jax.ShapeDtypeStruct((ROWS, D), jnp.float32),
            jax.ShapeDtypeStruct((B, D), jnp.float32),
            jax.ShapeDtypeStruct((B, D), jnp.float32),
        ],
        scratch_types=[
            pltpu.VMEM((NCHUNK, CH), jnp.int32),
            [pltpu.VMEM((CH, D), jnp.float32) for _ in range(NBUF)],
            pltpu.VMEM((BPW,), jnp.int32),
            pltpu.VMEM((BPW, D), jnp.float32),
            [pltpu.SemaphoreType.DMA for _ in range(NBUF)],
            [pltpu.SemaphoreType.DMA for _ in range(NBUF)],
        ],
        compiler_params=pltpu.CompilerParams(use_tc_tiling_on_sc=False),
    )
    def k(mids_hbm, iids_hbm, gids_hbm, u2e_hbm, v2e_hbm, g2e_hbm,
          memb_out, item_out, group_out,
          idx_v, bufs, sid_v, rows_v, gsems, osems):
        wid = lax.axis_index("s") * NC + lax.axis_index("c")
        base = wid * RPW

        pltpu.sync_copy(mids_hbm.at[pl.ds(wid * NCHUNK, NCHUNK)], idx_v)

        def gather_start(c, b):
            pltpu.async_copy(u2e_hbm.at[idx_v.at[c]], bufs[b], gsems[b])

        def copyout_start(c, b):
            pltpu.async_copy(bufs[b],
                             memb_out.at[pl.ds(base + c * CH, CH)], osems[b])

        for b in range(NBUF):
            gather_start(b, b)

        def body(j):
            for b in range(NBUF):
                pltpu.make_async_copy(
                    u2e_hbm.at[idx_v.at[0]], bufs[b], gsems[b]).wait()
                copyout_start(j + b, b)
            for b in range(NBUF):
                nxt = j + b + NBUF

                @pl.when(nxt < NCHUNK)
                def _():
                    pltpu.make_async_copy(
                        bufs[b], memb_out.at[pl.ds(base, CH)], osems[b]).wait()
                    gather_start(nxt, b)

        pl.loop(0, NCHUNK, step=NBUF)(body)

        for b in range(NBUF):
            pltpu.make_async_copy(
                bufs[b], memb_out.at[pl.ds(base, CH)], osems[b]).wait()

        sbase = wid * BPW
        pltpu.sync_copy(iids_hbm.at[pl.ds(sbase, BPW)], sid_v)
        pltpu.async_copy(v2e_hbm.at[sid_v], rows_v, gsems[0]).wait()
        pltpu.sync_copy(rows_v, item_out.at[pl.ds(sbase, BPW)])

        pltpu.sync_copy(gids_hbm.at[pl.ds(sbase, BPW)], sid_v)
        pltpu.async_copy(g2e_hbm.at[sid_v], rows_v, gsems[0]).wait()
        pltpu.sync_copy(rows_v, group_out.at[pl.ds(sbase, BPW)])

    return k(mids2d, item_ids, gro_ids, u2e_w, v2e_w, g2e_w)


BG = 64
GRID = B // BG
PACK = 4
PM = PACK * MP


def _tc_attn_body(emb_ref, mask_ref, item_ref, group_ref,
                  wq_ref, bq_ref, wk_ref, bk_ref, wve_ref, bve_ref,
                  w1a_ref, w1b_ref, b1_ref, w2_ref, b2_ref,
                  bd_ref, out_ref):
    maskf = jnp.transpose(mask_ref[:])
    e2 = emb_ref[:]
    lo = e2[:, :D].reshape(BG, MP // 2, D)
    hi = e2[:, D:].reshape(BG, MP // 2, D)
    emb = jnp.concatenate([lo, hi], axis=1).reshape(BG * MP, D)
    q = jnp.dot(emb, wq_ref[:], preferred_element_type=jnp.float32) + bq_ref[:]
    k = jnp.dot(emb, wk_ref[:], preferred_element_type=jnp.float32) + bk_ref[:]
    v = (jnp.dot(emb, wve_ref[:], preferred_element_type=jnp.float32)
         + bve_ref[:]) * maskf

    bd = bd_ref[:]
    parts = []
    for p in range(BG // PACK):
        s0, s1 = p * PM, (p + 1) * PM
        qp, kp, vp = q[s0:s1], k[s0:s1], v[s0:s1]
        energy = lax.dot_general(qp, kp, (((1,), (1,)), ((), ())),
                                 preferred_element_type=jnp.float32)
        energy = jnp.clip(energy, -50.0, 50.0)
        eexp = jnp.exp(energy) * bd
        we = jnp.dot(eexp, vp, preferred_element_type=jnp.float32)
        mo = we[:, :D] * (1.0 / we[:, D:D + 1])
        parts.append(mo + emb[s0:s1])
    overall2 = jnp.concatenate(parts, axis=0)

    ipart8 = jnp.dot(item_ref[:], w1b_ref[:],
                     preferred_element_type=jnp.float32)
    ipart = jnp.broadcast_to(ipart8[:, None, :],
                             (BG, MP, 16)).reshape(BG * MP, 16)
    h = jnp.maximum(
        jnp.dot(overall2, w1a_ref[:], preferred_element_type=jnp.float32)
        + maskf * ipart + b1_ref[:], 0.0)
    a = jnp.dot(h, w2_ref[:], preferred_element_type=jnp.float32) + b2_ref[:]
    a = jnp.clip(a, -50.0, 50.0)
    aexp = jnp.exp(a) * maskf

    num = jnp.sum((aexp * overall2).reshape(BG, MP, D), axis=1)
    den = jnp.sum(aexp.reshape(BG, MP, 1), axis=1)
    out_ref[:] = 0.25 * (num / den) + 0.5 * group_ref[:]


def _tc_attn(emb_flat, maskf, item_emb, group_emb,
             Wq, bq, Wk, bk, Wve, bve, W1a, W1b, b1, W2, b2, bd):
    full = lambda s: pl.BlockSpec(s, lambda i: (0, 0))
    return pl.pallas_call(
        _tc_attn_body,
        grid=(GRID,),
        in_specs=[
            pl.BlockSpec((BG * MP // 2, 2 * D), lambda i: (i, 0)),
            pl.BlockSpec((1, BG * MP), lambda i: (0, i)),
            pl.BlockSpec((BG, D), lambda i: (i, 0)),
            pl.BlockSpec((BG, D), lambda i: (i, 0)),
            full((D, D)), full((1, D)),
            full((D, D)), full((1, D)),
            full((D, D + 1)), full((1, D + 1)),
            full((D, 16)), full((D, 16)), full((1, 16)),
            full((16, 1)), full((1, 1)),
            full((PM, PM)),
        ],
        out_specs=pl.BlockSpec((BG, D), lambda i: (i, 0)),
        out_shape=jax.ShapeDtypeStruct((B, D), jnp.float32),
    )(emb_flat, maskf, item_emb, group_emb,
      Wq, bq, Wk, bk, Wve, bve, W1a, W1b, b1, W2, b2, bd)


def kernel(gro_inputs, item_inputs, menb_ids, mask, u2e_w, v2e_w, g2e_w,
           Wq, bq, Wk, bk, Wv, bv, W1, b1, W2, b2):
    mask_pb = jnp.pad(mask, ((0, 0), (0, MP - M))) > 0.0
    mids_p = jnp.pad(menb_ids, ((0, 0), (0, MP - M)))
    spread = jax.lax.broadcasted_iota(jnp.int32, (B, MP), 0) * MP \
        + jax.lax.broadcasted_iota(jnp.int32, (B, MP), 1)
    mids_p = jnp.where(mask_pb, mids_p, spread % NU)
    mids2d = mids_p.reshape(ROWS // CH, CH)
    u2e_w, v2e_w, g2e_w = lax.optimization_barrier((u2e_w, v2e_w, g2e_w))
    memb_flat, item_emb, group_emb = _sc_gather(
        mids2d, item_inputs, gro_inputs, u2e_w, v2e_w, g2e_w)

    mask_p = jnp.pad(mask, ((0, 0), (0, MP - M)))
    memb2 = memb_flat.reshape(ROWS // 2, 2 * D)
    Wve = jnp.pad(Wv, ((0, 0), (0, 1)))
    bve = jnp.pad(bv, ((0, 1)), constant_values=1.0).reshape(1, D + 1)
    bgid = jax.lax.broadcasted_iota(jnp.int32, (PM, PM), 0) // MP
    bd = (bgid == jax.lax.broadcasted_iota(jnp.int32, (PM, PM), 1) // MP
          ).astype(jnp.float32)
    perm = jnp.concatenate([jnp.arange(0, MP, 2), jnp.arange(1, MP, 2)])
    mask_perm = mask_p[:, perm]
    return _tc_attn(memb2, mask_perm.reshape(1, ROWS), item_emb,
                    group_emb,
                    Wq, bq.reshape(1, D), Wk, bk.reshape(1, D),
                    Wve, bve,
                    0.5 * W1[:D], W1[D:], b1.reshape(1, 16),
                    W2, b2.reshape(1, 1), bd)

# --- scband reference (transcript-rebuilt; emitter-appended) ---
"""Pipeline reference for scband-group-aggregator-37709812859587 (READ-ONLY COPY).

The authoritative reference and input builder live on the scoring server;
editing this copy changes nothing except your own understanding.
"""

import jax, jax.numpy as jnp
import numpy as np

B = 4096
M = 50
D = 64
NU = 100000
NI = 100000
NG = 100000
LMD = 0.5


def setup_inputs(seed: int = 0) -> dict:
    key = jax.random.key(seed)
    ks = jax.random.split(key, 16)
    gro_inputs = jax.random.randint(ks[0], (B,), 0, NG, dtype=jnp.int32)
    item_inputs = jax.random.randint(ks[1], (B,), 0, NI, dtype=jnp.int32)
    lengths = jax.random.randint(ks[2], (B,), 1, M + 1, dtype=jnp.int32)
    mask = (jnp.arange(M)[None, :] < lengths[:, None]).astype(jnp.float32)
    menb_ids = jax.random.randint(ks[3], (B, M), 0, NU, dtype=jnp.int32)
    menb_ids = menb_ids * mask.astype(jnp.int32)  # padded slots -> user id 0, matching torch postfix zeros
    u2e_w = jax.random.normal(ks[4], (NU, D), dtype=jnp.float32) * 0.1
    v2e_w = jax.random.normal(ks[5], (NI, D), dtype=jnp.float32) * 0.1
    g2e_w = jax.random.normal(ks[6], (NG, D), dtype=jnp.float32) * 0.1
    s = 1.0 / np.sqrt(D)
    Wq = jax.random.uniform(ks[7], (D, D), minval=-s, maxval=s, dtype=jnp.float32)
    bq = jnp.zeros((D,), dtype=jnp.float32)
    Wk = jax.random.uniform(ks[8], (D, D), minval=-s, maxval=s, dtype=jnp.float32)
    bk = jnp.zeros((D,), dtype=jnp.float32)
    Wv = jax.random.uniform(ks[9], (D, D), minval=-s, maxval=s, dtype=jnp.float32)
    bv = jnp.zeros((D,), dtype=jnp.float32)
    s2 = 1.0 / np.sqrt(2 * D)
    W1 = jax.random.uniform(ks[10], (2 * D, 16), minval=-s2, maxval=s2, dtype=jnp.float32)
    b1 = jnp.zeros((16,), dtype=jnp.float32)
    W2 = jax.random.uniform(ks[11], (16, 1), minval=-0.25, maxval=0.25, dtype=jnp.float32)
    b2 = jnp.zeros((1,), dtype=jnp.float32)
    return {
        'gro_inputs': gro_inputs, 'item_inputs': item_inputs,
        'menb_ids': menb_ids, 'mask': mask,
        'u2e_w': u2e_w, 'v2e_w': v2e_w, 'g2e_w': g2e_w,
        'Wq': Wq, 'bq': bq, 'Wk': Wk, 'bk': bk, 'Wv': Wv, 'bv': bv,
        'W1': W1, 'b1': b1, 'W2': W2, 'b2': b2,
    }


def reference(gro_inputs, item_inputs, menb_ids, mask, u2e_w, v2e_w, g2e_w,
              Wq, bq, Wk, bk, Wv, bv, W1, b1, W2, b2):
    # type_a == 'han' path of Group_aggregator.forward
    group_embeds_full = jnp.take(g2e_w, gro_inputs, axis=0)
    menb_emb = jnp.take(u2e_w, menb_ids, axis=0) * mask[:, :, None]
    item_ids = item_inputs[:, None] * mask.astype(jnp.int32)
    item_emb = jnp.take(v2e_w, item_ids, axis=0) * mask[:, :, None]
    # SelfAttentionLayer_tuser: query/key/value projections
    proj_q = (menb_emb @ Wq + bq) * mask[:, :, None]
    proj_k = (menb_emb @ Wk + bk) * mask[:, :, None]
    proj_v = menb_emb @ Wv + bv
    energy = jnp.einsum('bmd,bnd->bmn', proj_q, proj_k)
    energy = jnp.clip(energy, -50.0, 50.0)
    energy_exp = jnp.exp(energy) * mask[:, None, :]
    energy_sm = energy_exp / jnp.sum(energy_exp, axis=-1, keepdims=True)
    menb_out = jnp.einsum('bmn,bnd->bmd', energy_sm, proj_v)
    menb_out = menb_out * mask[:, :, None]
    overall = 0.5 * menb_out + 0.5 * menb_emb
    # AttentionLayer(2D): MLP 2D->16->1 (dropout inactive at inference)
    group_item_emb = jnp.concatenate([overall, item_emb], axis=-1)
    h = jax.nn.relu(group_item_emb @ W1 + b1)
    attn = (h @ W2 + b2)[..., 0]
    attn = jnp.clip(attn, -50.0, 50.0)
    attn_exp = jnp.exp(attn) * mask
    attn_sm = attn_exp / jnp.sum(attn_exp, axis=-1, keepdims=True)
    g_embeds_with_attention = jnp.einsum('bm,bmd->bd', attn_sm, overall)
    gro_attention = LMD * g_embeds_with_attention + (1.0 - LMD) * group_embeds_full
    return gro_attention

if __name__ == "__main__":
    import jax
    _d = setup_inputs()
    print(jax.jit(kernel)(*tuple(_d.values())))

</pallas_src>

<mosaic_0001>
#map = affine_map<(d0, d1) -> (0, 0)>
#map1 = affine_map<(d0, d1) -> (0)>
module attributes {stable_mosaic.version = 14 : i64} {
  func.func @k(%arg0: i32, %arg1: i32, %arg2: memref<2048x128xi32, #tpu.memory_space<hbm>>, %arg3: memref<4096xi32, #tpu.memory_space<hbm>>, %arg4: memref<4096xi32, #tpu.memory_space<hbm>>, %arg5: memref<100000x64xf32, #tpu.memory_space<hbm>>, %arg6: memref<100000x64xf32, #tpu.memory_space<hbm>>, %arg7: memref<100000x64xf32, #tpu.memory_space<hbm>>, %arg8: memref<262144x64xf32, #tpu.memory_space<hbm>>, %arg9: memref<4096x64xf32, #tpu.memory_space<hbm>>, %arg10: memref<4096x64xf32, #tpu.memory_space<hbm>>, %arg11: memref<64x128xi32, #tpu.memory_space<vmem>>, %arg12: memref<128x64xf32, #tpu.memory_space<vmem>>, %arg13: memref<128x64xf32, #tpu.memory_space<vmem>>, %arg14: memref<128x64xf32, #tpu.memory_space<vmem>>, %arg15: memref<128x64xf32, #tpu.memory_space<vmem>>, %arg16: memref<128xi32, #tpu.memory_space<vmem>>, %arg17: memref<128x64xf32, #tpu.memory_space<vmem>>, %arg18: memref<!tpu.dma_semaphore, #tpu.memory_space<semaphore_mem>>, %arg19: memref<!tpu.dma_semaphore, #tpu.memory_space<semaphore_mem>>, %arg20: memref<!tpu.dma_semaphore, #tpu.memory_space<semaphore_mem>>, %arg21: memref<!tpu.dma_semaphore, #tpu.memory_space<semaphore_mem>>, %arg22: memref<!tpu.dma_semaphore, #tpu.memory_space<semaphore_mem>>, %arg23: memref<!tpu.dma_semaphore, #tpu.memory_space<semaphore_mem>>, %arg24: memref<!tpu.dma_semaphore, #tpu.memory_space<semaphore_mem>>, %arg25: memref<!tpu.dma_semaphore, #tpu.memory_space<semaphore_mem>>) attributes {dimension_semantics = [#tpu.dimension_semantics<core_parallel>, #tpu.dimension_semantics<subcore_parallel>], iteration_bounds = array<i64: 2, 16>, scalar_prefetch = 0 : i64, scratch_operands = 15 : i64, tpu.core_type = #tpu.core_type<sc_vector_subcore>, window_params = [{transform_indices = #map}, {transform_indices = #map1}, {transform_indices = #map1}, {transform_indices = #map}, {transform_indices = #map}, {transform_indices = #map}, {transform_indices = #map}, {transform_indices = #map}, {transform_indices = #map}]} {
    %mul3A = arith.constant 2 : i32
    %mul3A_0 = arith.muli %arg1, %mul3A : i32
    %add3A = arith.addi %mul3A_0, %arg0 : i32
    %mul3A_1 = arith.constant 8192 : i32
    %mul3A_2 = arith.muli %add3A, %mul3A_1 : i32
    %mul3A_3 = arith.constant 64 : i32
    %mul3A_4 = arith.muli %add3A, %mul3A_3 : i32
    "tpu.region"() ({
      %run_scoped3A = tpu.sem_alloc : memref<!tpu.dma_semaphore, #tpu.memory_space<semaphore_mem>>
      %dma_start3A_65 = arith.constant 0 : i32
      %dma_start3A_66 = tpu.memref_slice %arg2[%mul3A_4, %dma_start3A_65] : memref<2048x128xi32, #tpu.memory_space<hbm>> -> memref<64x128xi32, #tpu.memory_space<hbm>>
      %dma_start3A_67 = arith.constant 0 : i32
      %dma_start3A_68 = tpu.memref_slice %arg2[%mul3A_4, %dma_start3A_67] : memref<2048x128xi32, #tpu.memory_space<hbm>> -> memref<64x128xi32, #tpu.memory_space<hbm>>
      tpu.enqueue_dma source(%dma_start3A_68 : memref<64x128xi32, #tpu.memory_space<hbm>>) target(%arg11 : memref<64x128xi32, #tpu.memory_space<vmem>>) target_semaphore(%run_scoped3A : memref<!tpu.dma_semaphore, #tpu.memory_space<semaphore_mem>>)
      %dma_wait3A_69 = arith.constant 0 : i32
      %dma_wait3A_70 = tpu.memref_slice %arg2[%mul3A_4, %dma_wait3A_69] : memref<2048x128xi32, #tpu.memory_space<hbm>> -> memref<64x128xi32, #tpu.memory_space<hbm>>
      %dma_wait3A_71 = arith.constant 0 : i32
      %dma_wait3A_72 = tpu.memref_slice %arg2[%mul3A_4, %dma_wait3A_71] : memref<2048x128xi32, #tpu.memory_space<hbm>> -> memref<64x128xi32, #tpu.memory_space<hbm>>
      tpu.wait_dma2 semaphore(%run_scoped3A : memref<!tpu.dma_semaphore, #tpu.memory_space<semaphore_mem>>) src(%dma_wait3A_72 : memref<64x128xi32, #tpu.memory_space<hbm>>) dst(%arg11 : memref<64x128xi32, #tpu.memory_space<vmem>>)
      tpu.yield
    }) : () -> ()
    %dma_start3A = arith.constant 0 : i32
    %dma_start3A_5 = arith.constant 0 : i32
    %dma_start3A_6 = tpu.memref_slice %arg11[%dma_start3A, %dma_start3A_5] : memref<64x128xi32, #tpu.memory_space<vmem>> -> memref<1x128xi32, #tpu.memory_space<vmem>>
    %dma_start3A_7 = tpu.memref_squeeze %dma_start3A_6 : memref<1x128xi32, #tpu.memory_space<vmem>> -> memref<128xi32, #tpu.memory_space<vmem>>
    %dma_start3A_8 = arith.constant 0 : i32
    %dma_start3A_9 = arith.constant 0 : i32
    %dma_start3A_10 = tpu.memref_slice %arg5[%dma_start3A_8, %dma_start3A_9] : memref<100000x64xf32, #tpu.memory_space<hbm>> -> memref<100000x64xf32, #tpu.memory_space<hbm>>
    tpu.enqueue_indirect_dma source(%dma_start3A_10 : memref<100000x64xf32, #tpu.memory_space<hbm>>) target(%arg12 : memref<128x64xf32, #tpu.memory_space<vmem>>) offsets(%dma_start3A_7 : memref<128xi32, #tpu.memory_space<vmem>>) semaphore(%arg18 : memref<!tpu.dma_semaphore, #tpu.memory_space<semaphore_mem>>)
    %dma_start3A_11 = arith.constant 1 : i32
    %dma_start3A_12 = arith.constant 0 : i32
    %dma_start3A_13 = tpu.memref_slice %arg11[%dma_start3A_11, %dma_start3A_12] : memref<64x128xi32, #tpu.memory_space<vmem>> -> memref<1x128xi32, #tpu.memory_space<vmem>>
    %dma_start3A_14 = tpu.memref_squeeze %dma_start3A_13 : memref<1x128xi32, #tpu.memory_space<vmem>> -> memref<128xi32, #tpu.memory_space<vmem>>
    %dma_start3A_15 = arith.constant 0 : i32
    %dma_start3A_16 = arith.constant 0 : i32
    %dma_start3A_17 = tpu.memref_slice %arg5[%dma_start3A_15, %dma_start3A_16] : memref<100000x64xf32, #tpu.memory_space<hbm>> -> memref<100000x64xf32, #tpu.memory_space<hbm>>
    tpu.enqueue_indirect_dma source(%dma_start3A_17 : memref<100000x64xf32, #tpu.memory_space<hbm>>) target(%arg13 : memref<128x64xf32, #tpu.memory_space<vmem>>) offsets(%dma_start3A_14 : memref<128xi32, #tpu.memory_space<vmem>>) semaphore(%arg19 : memref<!tpu.dma_semaphore, #tpu.memory_space<semaphore_mem>>)
    %dma_start3A_18 = arith.constant 2 : i32
    %dma_start3A_19 = arith.constant 0 : i32
    %dma_start3A_20 = tpu.memref_slice %arg11[%dma_start3A_18, %dma_start3A_19] : memref<64x128xi32, #tpu.memory_space<vmem>> -> memref<1x128xi32, #tpu.memory_space<vmem>>
    %dma_start3A_21 = tpu.memref_squeeze %dma_start3A_20 : memref<1x128xi32, #tpu.memory_space<vmem>> -> memref<128xi32, #tpu.memory_space<vmem>>
    %dma_start3A_22 = arith.constant 0 : i32
    %dma_start3A_23 = arith.constant 0 : i32
    %dma_start3A_24 = tpu.memref_slice %arg5[%dma_start3A_22, %dma_start3A_23] : memref<100000x64xf32, #tpu.memory_space<hbm>> -> memref<100000x64xf32, #tpu.memory_space<hbm>>
    tpu.enqueue_indirect_dma source(%dma_start3A_24 : memref<100000x64xf32, #tpu.memory_space<hbm>>) target(%arg14 : memref<128x64xf32, #tpu.memory_space<vmem>>) offsets(%dma_start3A_21 : memref<128xi32, #tpu.memory_space<vmem>>) semaphore(%arg20 : memref<!tpu.dma_semaphore, #tpu.memory_space<semaphore_mem>>)
    %dma_start3A_25 = arith.constant 3 : i32
    %dma_start3A_26 = arith.constant 0 : i32
    %dma_start3A_27 = tpu.memref_slice %arg11[%dma_start3A_25, %dma_start3A_26] : memref<64x128xi32, #tpu.memory_space<vmem>> -> memref<1x128xi32, #tpu.memory_space<vmem>>
    %dma_start3A_28 = tpu.memref_squeeze %dma_start3A_27 : memref<1x128xi32, #tpu.memory_space<vmem>> -> memref<128xi32, #tpu.memory_space<vmem>>
    %dma_start3A_29 = arith.constant 0 : i32
    %dma_start3A_30 = arith.constant 0 : i32
    %dma_start3A_31 = tpu.memref_slice %arg5[%dma_start3A_29, %dma_start3A_30] : memref<100000x64xf32, #tpu.memory_space<hbm>> -> memref<100000x64xf32, #tpu.memory_space<hbm>>
    tpu.enqueue_indirect_dma source(%dma_start3A_31 : memref<100000x64xf32, #tpu.memory_space<hbm>>) target(%arg15 : memref<128x64xf32, #tpu.memory_space<vmem>>) offsets(%dma_start3A_28 : memref<128xi32, #tpu.memory_space<vmem>>) semaphore(%arg21 : memref<!tpu.dma_semaphore, #tpu.memory_space<semaphore_mem>>)
    %scan3A = arith.constant 0 : i32
    %scan3A_32 = arith.constant 16 : i32
    %scan3A_33 = arith.addi %scan3A, %scan3A_32 : i32
    %scan3A_34 = arith.constant 1 : i32
    scf.for %scan3A_65 = %scan3A to %scan3A_33 step %scan3A_34  : i32 {
      %mul3A_66 = arith.constant 4 : i32
      %mul3A_67 = arith.muli %scan3A_65, %mul3A_66 : i32
      %add3A_68 = arith.constant 0 : i32
      %add3A_69 = arith.addi %add3A_68, %mul3A_67 : i32
      %dma_wait3A_70 = arith.constant 0 : i32
      %dma_wait3A_71 = arith.constant 0 : i32
      %dma_wait3A_72 = tpu.memref_slice %arg11[%dma_wait3A_70, %dma_wait3A_71] : memref<64x128xi32, #tpu.memory_space<vmem>> -> memref<1x128xi32, #tpu.memory_space<vmem>>
      %dma_wait3A_73 = tpu.memref_squeeze %dma_wait3A_72 : memref<1x128xi32, #tpu.memory_space<vmem>> -> memref<128xi32, #tpu.memory_space<vmem>>
      %dma_wait3A_74 = arith.constant 0 : i32
      %dma_wait3A_75 = arith.constant 0 : i32
      %dma_wait3A_76 = tpu.memref_slice %arg5[%dma_wait3A_74, %dma_wait3A_75] : memref<100000x64xf32, #tpu.memory_space<hbm>> -> memref<100000x64xf32, #tpu.memory_space<hbm>>
      tpu.wait_indirect_dma semaphore(%arg18 : memref<!tpu.dma_semaphore, #tpu.memory_space<semaphore_mem>>) src(%dma_wait3A_76 : memref<100000x64xf32, #tpu.memory_space<hbm>>) dst(%arg12 : memref<128x64xf32, #tpu.memory_space<vmem>>)
      %add3A_77 = arith.constant 0 : i32
      %add3A_78 = arith.addi %add3A_69, %add3A_77 : i32
      %mul3A_79 = arith.constant 128 : i32
      %mul3A_80 = arith.muli %add3A_78, %mul3A_79 : i32
      %add3A_81 = arith.addi %mul3A_2, %mul3A_80 : i32
      %dma_start3A_82 = arith.constant 0 : i32
      %dma_start3A_83 = tpu.memref_slice %arg8[%add3A_81, %dma_start3A_82] : memref<262144x64xf32, #tpu.memory_space<hbm>> -> memref<128x64xf32, #tpu.memory_space<hbm>>
      %dma_start3A_84 = arith.constant 0 : i32
      %dma_start3A_85 = tpu.memref_slice %arg8[%add3A_81, %dma_start3A_84] : memref<262144x64xf32, #tpu.memory_space<hbm>> -> memref<128x64xf32, #tpu.memory_space<hbm>>
      tpu.enqueue_dma source(%arg12 : memref<128x64xf32, #tpu.memory_space<vmem>>) target(%dma_start3A_85 : memref<128x64xf32, #tpu.memory_space<hbm>>) target_semaphore(%arg22 : memref<!tpu.dma_semaphore, #tpu.memory_space<semaphore_mem>>)
      %dma_wait3A_86 = arith.constant 0 : i32
      %dma_wait3A_87 = arith.constant 0 : i32
      %dma_wait3A_88 = tpu.memref_slice %arg11[%dma_wait3A_86, %dma_wait3A_87] : memref<64x128xi32, #tpu.memory_space<vmem>> -> memref<1x128xi32, #tpu.memory_space<vmem>>
      %dma_wait3A_89 = tpu.memref_squeeze %dma_wait3A_88 : memref<1x128xi32, #tpu.memory_space<vmem>> -> memref<128xi32, #tpu.memory_space<vmem>>
      %dma_wait3A_90 = arith.constant 0 : i32
      %dma_wait3A_91 = arith.constant 0 : i32
      %dma_wait3A_92 = tpu.memref_slice %arg5[%dma_wait3A_90, %dma_wait3A_91] : memref<100000x64xf32, #tpu.memory_space<hbm>> -> memref<100000x64xf32, #tpu.memory_space<hbm>>
      tpu.wait_indirect_dma semaphore(%arg19 : memref<!tpu.dma_semaphore, #tpu.memory_space<semaphore_mem>>) src(%dma_wait3A_92 : memref<100000x64xf32, #tpu.memory_space<hbm>>) dst(%arg13 : memref<128x64xf32, #tpu.memory_space<vmem>>)
      %add3A_93 = arith.constant 1 : i32
      %add3A_94 = arith.addi %add3A_69, %add3A_93 : i32
      %mul3A_95 = arith.constant 128 : i32
      %mul3A_96 = arith.muli %add3A_94, %mul3A_95 : i32
      %add3A_97 = arith.addi %mul3A_2, %mul3A_96 : i32
      %dma_start3A_98 = arith.constant 0 : i32
      %dma_start3A_99 = tpu.memref_slice %arg8[%add3A_97, %dma_start3A_98] : memref<262144x64xf32, #tpu.memory_space<hbm>> -> memref<128x64xf32, #tpu.memory_space<hbm>>
      %dma_start3A_100 = arith.constant 0 : i32
      %dma_start3A_101 = tpu.memref_slice %arg8[%add3A_97, %dma_start3A_100] : memref<262144x64xf32, #tpu.memory_space<hbm>> -> memref<128x64xf32, #tpu.memory_space<hbm>>
      tpu.enqueue_dma source(%arg13 : memref<128x64xf32, #tpu.memory_space<vmem>>) target(%dma_start3A_101 : memref<128x64xf32, #tpu.memory_space<hbm>>) target_semaphore(%arg23 : memref<!tpu.dma_semaphore, #tpu.memory_space<semaphore_mem>>)
      %dma_wait3A_102 = arith.constant 0 : i32
      %dma_wait3A_103 = arith.constant 0 : i32
      %dma_wait3A_104 = tpu.memref_slice %arg11[%dma_wait3A_102, %dma_wait3A_103] : memref<64x128xi32, #tpu.memory_space<vmem>> -> memref<1x128xi32, #tpu.memory_space<vmem>>
      %dma_wait3A_105 = tpu.memref_squeeze %dma_wait3A_104 : memref<1x128xi32, #tpu.memory_space<vmem>> -> memref<128xi32, #tpu.memory_space<vmem>>
      %dma_wait3A_106 = arith.constant 0 : i32
      %dma_wait3A_107 = arith.constant 0 : i32
      %dma_wait3A_108 = tpu.memref_slice %arg5[%dma_wait3A_106, %dma_wait3A_107] : memref<100000x64xf32, #tpu.memory_space<hbm>> -> memref<100000x64xf32, #tpu.memory_space<hbm>>
      tpu.wait_indirect_dma semaphore(%arg20 : memref<!tpu.dma_semaphore, #tpu.memory_space<semaphore_mem>>) src(%dma_wait3A_108 : memref<100000x64xf32, #tpu.memory_space<hbm>>) dst(%arg14 : memref<128x64xf32, #tpu.memory_space<vmem>>)
      %add3A_109 = arith.constant 2 : i32
      %add3A_110 = arith.addi %add3A_69, %add3A_109 : i32
      %mul3A_111 = arith.constant 128 : i32
      %mul3A_112 = arith.muli %add3A_110, %mul3A_111 : i32
      %add3A_113 = arith.addi %mul3A_2, %mul3A_112 : i32
      %dma_start3A_114 = arith.constant 0 : i32
      %dma_start3A_115 = tpu.memref_slice %arg8[%add3A_113, %dma_start3A_114] : memref<262144x64xf32, #tpu.memory_space<hbm>> -> memref<128x64xf32, #tpu.memory_space<hbm>>
      %dma_start3A_116 = arith.constant 0 : i32
      %dma_start3A_117 = tpu.memref_slice %arg8[%add3A_113, %dma_start3A_116] : memref<262144x64xf32, #tpu.memory_space<hbm>> -> memref<128x64xf32, #tpu.memory_space<hbm>>
      tpu.enqueue_dma source(%arg14 : memref<128x64xf32, #tpu.memory_space<vmem>>) target(%dma_start3A_117 : memref<128x64xf32, #tpu.memory_space<hbm>>) target_semaphore(%arg24 : memref<!tpu.dma_semaphore, #tpu.memory_space<semaphore_mem>>)
      %dma_wait3A_118 = arith.constant 0 : i32
      %dma_wait3A_119 = arith.constant 0 : i32
      %dma_wait3A_120 = tpu.memref_slice %arg11[%dma_wait3A_118, %dma_wait3A_119] : memref<64x128xi32, #tpu.memory_space<vmem>> -> memref<1x128xi32, #tpu.memory_space<vmem>>
      %dma_wait3A_121 = tpu.memref_squeeze %dma_wait3A_120 : memref<1x128xi32, #tpu.memory_space<vmem>> -> memref<128xi32, #tpu.memory_space<vmem>>
      %dma_wait3A_122 = arith.constant 0 : i32
      %dma_wait3A_123 = arith.constant 0 : i32
      %dma_wait3A_124 = tpu.memref_slice %arg5[%dma_wait3A_122, %dma_wait3A_123] : memref<100000x64xf32, #tpu.memory_space<hbm>> -> memref<100000x64xf32, #tpu.memory_space<hbm>>
      tpu.wait_indirect_dma semaphore(%arg21 : memref<!tpu.dma_semaphore, #tpu.memory_space<semaphore_mem>>) src(%dma_wait3A_124 : memref<100000x64xf32, #tpu.memory_space<hbm>>) dst(%arg15 : memref<128x64xf32, #tpu.memory_space<vmem>>)
      %add3A_125 = arith.constant 3 : i32
      %add3A_126 = arith.addi %add3A_69, %add3A_125 : i32
      %mul3A_127 = arith.constant 128 : i32
      %mul3A_128 = arith.muli %add3A_126, %mul3A_127 : i32
      %add3A_129 = arith.addi %mul3A_2, %mul3A_128 : i32
      %dma_start3A_130 = arith.constant 0 : i32
      %dma_start3A_131 = tpu.memref_slice %arg8[%add3A_129, %dma_start3A_130] : memref<262144x64xf32, #tpu.memory_space<hbm>> -> memref<128x64xf32, #tpu.memory_space<hbm>>
      %dma_start3A_132 = arith.constant 0 : i32
      %dma_start3A_133 = tpu.memref_slice %arg8[%add3A_129, %dma_start3A_132] : memref<262144x64xf32, #tpu.memory_space<hbm>> -> memref<128x64xf32, #tpu.memory_space<hbm>>
      tpu.enqueue_dma source(%arg15 : memref<128x64xf32, #tpu.memory_space<vmem>>) target(%dma_start3A_133 : memref<128x64xf32, #tpu.memory_space<hbm>>) target_semaphore(%arg25 : memref<!tpu.dma_semaphore, #tpu.memory_space<semaphore_mem>>)
      %add3A_134 = arith.constant 0 : i32
      %add3A_135 = arith.addi %add3A_69, %add3A_134 : i32
      %add3A_136 = arith.constant 4 : i32
      %add3A_137 = arith.addi %add3A_135, %add3A_136 : i32
      %lt3A = arith.constant 64 : i32
      %lt3A_138 = arith.cmpi slt, %add3A_137, %lt3A : i32
      %convert_element_type3A = arith.extui %lt3A_138 : i1 to i32
      %cond3A = arith.constant 0 : i32
      %cond3A_139 = arith.cmpi ne, %convert_element_type3A, %cond3A : i32
      scf.if %cond3A_139 {
        %dma_wait3A_167 = arith.constant 0 : i32
        %dma_wait3A_168 = tpu.memref_slice %arg8[%mul3A_2, %dma_wait3A_167] : memref<262144x64xf32, #tpu.memory_space<hbm>> -> memref<128x64xf32, #tpu.memory_space<hbm>>
        %dma_wait3A_169 = arith.constant 0 : i32
        %dma_wait3A_170 = tpu.memref_slice %arg8[%mul3A_2, %dma_wait3A_169] : memref<262144x64xf32, #tpu.memory_space<hbm>> -> memref<128x64xf32, #tpu.memory_space<hbm>>
        tpu.wait_dma2 semaphore(%arg22 : memref<!tpu.dma_semaphore, #tpu.memory_space<semaphore_mem>>) src(%arg12 : memref<128x64xf32, #tpu.memory_space<vmem>>) dst(%dma_wait3A_170 : memref<128x64xf32, #tpu.memory_space<hbm>>)
        %dma_start3A_171 = arith.constant 0 : i32
        %dma_start3A_172 = tpu.memref_slice %arg11[%add3A_137, %dma_start3A_171] : memref<64x128xi32, #tpu.memory_space<vmem>> -> memref<1x128xi32, #tpu.memory_space<vmem>>
        %dma_start3A_173 = tpu.memref_squeeze %dma_start3A_172 : memref<1x128xi32, #tpu.memory_space<vmem>> -> memref<128xi32, #tpu.memory_space<vmem>>
        %dma_start3A_174 = arith.constant 0 : i32
        %dma_start3A_175 = arith.constant 0 : i32
        %dma_start3A_176 = tpu.memref_slice %arg5[%dma_start3A_174, %dma_start3A_175] : memref<100000x64xf32, #tpu.memory_space<hbm>> -> memref<100000x64xf32, #tpu.memory_space<hbm>>
        tpu.enqueue_indirect_dma source(%dma_start3A_176 : memref<100000x64xf32, #tpu.memory_space<hbm>>) target(%arg12 : memref<128x64xf32, #tpu.memory_space<vmem>>) offsets(%dma_start3A_173 : memref<128xi32, #tpu.memory_space<vmem>>) semaphore(%arg18 : memref<!tpu.dma_semaphore, #tpu.memory_space<semaphore_mem>>)
      } else {
      }
      %add3A_140 = arith.constant 1 : i32
      %add3A_141 = arith.addi %add3A_69, %add3A_140 : i32
      %add3A_142 = arith.constant 4 : i32
      %add3A_143 = arith.addi %add3A_141, %add3A_142 : i32
      %lt3A_144 = arith.constant 64 : i32
      %lt3A_145 = arith.cmpi slt, %add3A_143, %lt3A_144 : i32
      %convert_element_type3A_146 = arith.extui %lt3A_145 : i1 to i32
      %cond3A_147 = arith.constant 0 : i32
      %cond3A_148 = arith.cmpi ne, %convert_element_type3A_146, %cond3A_147 : i32
      scf.if %cond3A_148 {
        %dma_wait3A_167 = arith.constant 0 : i32
        %dma_wait3A_168 = tpu.memref_slice %arg8[%mul3A_2, %dma_wait3A_167] : memref<262144x64xf32, #tpu.memory_space<hbm>> -> memref<128x64xf32, #tpu.memory_space<hbm>>
        %dma_wait3A_169 = arith.constant 0 : i32
        %dma_wait3A_170 = tpu.memref_slice %arg8[%mul3A_2, %dma_wait3A_169] : memref<262144x64xf32, #tpu.memory_space<hbm>> -> memref<128x64xf32, #tpu.memory_space<hbm>>
        tpu.wait_dma2 semaphore(%arg23 : memref<!tpu.dma_semaphore, #tpu.memory_space<semaphore_mem>>) src(%arg13 : memref<128x64xf32, #tpu.memory_space<vmem>>) dst(%dma_wait3A_170 : memref<128x64xf32, #tpu.memory_space<hbm>>)
        %dma_start3A_171 = arith.constant 0 : i32
        %dma_start3A_172 = tpu.memref_slice %arg11[%add3A_143, %dma_start3A_171] : memref<64x128xi32, #tpu.memory_space<vmem>> -> memref<1x128xi32, #tpu.memory_space<vmem>>
        %dma_start3A_173 = tpu.memref_squeeze %dma_start3A_172 : memref<1x128xi32, #tpu.memory_space<vmem>> -> memref<128xi32, #tpu.memory_space<vmem>>
        %dma_start3A_174 = arith.constant 0 : i32
        %dma_start3A_175 = arith.constant 0 : i32
        %dma_start3A_176 = tpu.memref_slice %arg5[%dma_start3A_174, %dma_start3A_175] : memref<100000x64xf32, #tpu.memory_space<hbm>> -> memref<100000x64xf32, #tpu.memory_space<hbm>>
        tpu.enqueue_indirect_dma source(%dma_start3A_176 : memref<100000x64xf32, #tpu.memory_space<hbm>>) target(%arg13 : memref<128x64xf32, #tpu.memory_space<vmem>>) offsets(%dma_start3A_173 : memref<128xi32, #tpu.memory_space<vmem>>) semaphore(%arg19 : memref<!tpu.dma_semaphore, #tpu.memory_space<semaphore_mem>>)
      } else {
      }
      %add3A_149 = arith.constant 2 : i32
      %add3A_150 = arith.addi %add3A_69, %add3A_149 : i32
      %add3A_151 = arith.constant 4 : i32
      %add3A_152 = arith.addi %add3A_150, %add3A_151 : i32
      %lt3A_153 = arith.constant 64 : i32
      %lt3A_154 = arith.cmpi slt, %add3A_152, %lt3A_153 : i32
      %convert_element_type3A_155 = arith.extui %lt3A_154 : i1 to i32
      %cond3A_156 = arith.constant 0 : i32
      %cond3A_157 = arith.cmpi ne, %convert_element_type3A_155, %cond3A_156 : i32
      scf.if %cond3A_157 {
        %dma_wait3A_167 = arith.constant 0 : i32
        %dma_wait3A_168 = tpu.memref_slice %arg8[%mul3A_2, %dma_wait3A_167] : memref<262144x64xf32, #tpu.memory_space<hbm>> -> memref<128x64xf32, #tpu.memory_space<hbm>>
        %dma_wait3A_169 = arith.constant 0 : i32
        %dma_wait3A_170 = tpu.memref_slice %arg8[%mul3A_2, %dma_wait3A_169] : memref<262144x64xf32, #tpu.memory_space<hbm>> -> memref<128x64xf32, #tpu.memory_space<hbm>>
        tpu.wait_dma2 semaphore(%arg24 : memref<!tpu.dma_semaphore, #tpu.memory_space<semaphore_mem>>) src(%arg14 : memref<128x64xf32, #tpu.memory_space<vmem>>) dst(%dma_wait3A_170 : memref<128x64xf32, #tpu.memory_space<hbm>>)
        %dma_start3A_171 = arith.constant 0 : i32
        %dma_start3A_172 = tpu.memref_slice %arg11[%add3A_152, %dma_start3A_171] : memref<64x128xi32, #tpu.memory_space<vmem>> -> memref<1x128xi32, #tpu.memory_space<vmem>>
        %dma_start3A_173 = tpu.memref_squeeze %dma_start3A_172 : memref<1x128xi32, #tpu.memory_space<vmem>> -> memref<128xi32, #tpu.memory_space<vmem>>
        %dma_start3A_174 = arith.constant 0 : i32
        %dma_start3A_175 = arith.constant 0 : i32
        %dma_start3A_176 = tpu.memref_slice %arg5[%dma_start3A_174, %dma_start3A_175] : memref<100000x64xf32, #tpu.memory_space<hbm>> -> memref<100000x64xf32, #tpu.memory_space<hbm>>
        tpu.enqueue_indirect_dma source(%dma_start3A_176 : memref<100000x64xf32, #tpu.memory_space<hbm>>) target(%arg14 : memref<128x64xf32, #tpu.memory_space<vmem>>) offsets(%dma_start3A_173 : memref<128xi32, #tpu.memory_space<vmem>>) semaphore(%arg20 : memref<!tpu.dma_semaphore, #tpu.memory_space<semaphore_mem>>)
      } else {
      }
      %add3A_158 = arith.constant 3 : i32
      %add3A_159 = arith.addi %add3A_69, %add3A_158 : i32
      %add3A_160 = arith.constant 4 : i32
      %add3A_161 = arith.addi %add3A_159, %add3A_160 : i32
      %lt3A_162 = arith.constant 64 : i32
      %lt3A_163 = arith.cmpi slt, %add3A_161, %lt3A_162 : i32
      %convert_element_type3A_164 = arith.extui %lt3A_163 : i1 to i32
      %cond3A_165 = arith.constant 0 : i32
      %cond3A_166 = arith.cmpi ne, %convert_element_type3A_164, %cond3A_165 : i32
      scf.if %cond3A_166 {
        %dma_wait3A_167 = arith.constant 0 : i32
        %dma_wait3A_168 = tpu.memref_slice %arg8[%mul3A_2, %dma_wait3A_167] : memref<262144x64xf32, #tpu.memory_space<hbm>> -> memref<128x64xf32, #tpu.memory_space<hbm>>
        %dma_wait3A_169 = arith.constant 0 : i32
        %dma_wait3A_170 = tpu.memref_slice %arg8[%mul3A_2, %dma_wait3A_169] : memref<262144x64xf32, #tpu.memory_space<hbm>> -> memref<128x64xf32, #tpu.memory_space<hbm>>
        tpu.wait_dma2 semaphore(%arg25 : memref<!tpu.dma_semaphore, #tpu.memory_space<semaphore_mem>>) src(%arg15 : memref<128x64xf32, #tpu.memory_space<vmem>>) dst(%dma_wait3A_170 : memref<128x64xf32, #tpu.memory_space<hbm>>)
        %dma_start3A_171 = arith.constant 0 : i32
        %dma_start3A_172 = tpu.memref_slice %arg11[%add3A_161, %dma_start3A_171] : memref<64x128xi32, #tpu.memory_space<vmem>> -> memref<1x128xi32, #tpu.memory_space<vmem>>
        %dma_start3A_173 = tpu.memref_squeeze %dma_start3A_172 : memref<1x128xi32, #tpu.memory_space<vmem>> -> memref<128xi32, #tpu.memory_space<vmem>>
        %dma_start3A_174 = arith.constant 0 : i32
        %dma_start3A_175 = arith.constant 0 : i32
        %dma_start3A_176 = tpu.memref_slice %arg5[%dma_start3A_174, %dma_start3A_175] : memref<100000x64xf32, #tpu.memory_space<hbm>> -> memref<100000x64xf32, #tpu.memory_space<hbm>>
        tpu.enqueue_indirect_dma source(%dma_start3A_176 : memref<100000x64xf32, #tpu.memory_space<hbm>>) target(%arg15 : memref<128x64xf32, #tpu.memory_space<vmem>>) offsets(%dma_start3A_173 : memref<128xi32, #tpu.memory_space<vmem>>) semaphore(%arg21 : memref<!tpu.dma_semaphore, #tpu.memory_space<semaphore_mem>>)
      } else {
      }
    }
    %scan3A_35 = arith.constant 16 : i32
    %dma_wait3A = arith.constant 0 : i32
    %dma_wait3A_36 = tpu.memref_slice %arg8[%mul3A_2, %dma_wait3A] : memref<262144x64xf32, #tpu.memory_space<hbm>> -> memref<128x64xf32, #tpu.memory_space<hbm>>
    %dma_wait3A_37 = arith.constant 0 : i32
    %dma_wait3A_38 = tpu.memref_slice %arg8[%mul3A_2, %dma_wait3A_37] : memref<262144x64xf32, #tpu.memory_space<hbm>> -> memref<128x64xf32, #tpu.memory_space<hbm>>
    tpu.wait_dma2 semaphore(%arg22 : memref<!tpu.dma_semaphore, #tpu.memory_space<semaphore_mem>>) src(%arg12 : memref<128x64xf32, #tpu.memory_space<vmem>>) dst(%dma_wait3A_38 : memref<128x64xf32, #tpu.memory_space<hbm>>)
    %dma_wait3A_39 = arith.constant 0 : i32
    %dma_wait3A_40 = tpu.memref_slice %arg8[%mul3A_2, %dma_wait3A_39] : memref<262144x64xf32, #tpu.memory_space<hbm>> -> memref<128x64xf32, #tpu.memory_space<hbm>>
    %dma_wait3A_41 = arith.constant 0 : i32
    %dma_wait3A_42 = tpu.memref_slice %arg8[%mul3A_2, %dma_wait3A_41] : memref<262144x64xf32, #tpu.memory_space<hbm>> -> memref<128x64xf32, #tpu.memory_space<hbm>>
    tpu.wait_dma2 semaphore(%arg23 : memref<!tpu.dma_semaphore, #tpu.memory_space<semaphore_mem>>) src(%arg13 : memref<128x64xf32, #tpu.memory_space<vmem>>) dst(%dma_wait3A_42 : memref<128x64xf32, #tpu.memory_space<hbm>>)
    %dma_wait3A_43 = arith.constant 0 : i32
    %dma_wait3A_44 = tpu.memref_slice %arg8[%mul3A_2, %dma_wait3A_43] : memref<262144x64xf32, #tpu.memory_space<hbm>> -> memref<128x64xf32, #tpu.memory_space<hbm>>
    %dma_wait3A_45 = arith.constant 0 : i32
    %dma_wait3A_46 = tpu.memref_slice %arg8[%mul3A_2, %dma_wait3A_45] : memref<262144x64xf32, #tpu.memory_space<hbm>> -> memref<128x64xf32, #tpu.memory_space<hbm>>
    tpu.wait_dma2 semaphore(%arg24 : memref<!tpu.dma_semaphore, #tpu.memory_space<semaphore_mem>>) src(%arg14 : memref<128x64xf32, #tpu.memory_space<vmem>>) dst(%dma_wait3A_46 : memref<128x64xf32, #tpu.memory_space<hbm>>)
    %dma_wait3A_47 = arith.constant 0 : i32
    %dma_wait3A_48 = tpu.memref_slice %arg8[%mul3A_2, %dma_wait3A_47] : memref<262144x64xf32, #tpu.memory_space<hbm>> -> memref<128x64xf32, #tpu.memory_space<hbm>>
    %dma_wait3A_49 = arith.constant 0 : i32
    %dma_wait3A_50 = tpu.memref_slice %arg8[%mul3A_2, %dma_wait3A_49] : memref<262144x64xf32, #tpu.memory_space<hbm>> -> memref<128x64xf32, #tpu.memory_space<hbm>>
    tpu.wait_dma2 semaphore(%arg25 : memref<!tpu.dma_semaphore, #tpu.memory_space<semaphore_mem>>) src(%arg15 : memref<128x64xf32, #tpu.memory_space<vmem>>) dst(%dma_wait3A_50 : memref<128x64xf32, #tpu.memory_space<hbm>>)
    %mul3A_51 = arith.constant 128 : i32
    %mul3A_52 = arith.muli %add3A, %mul3A_51 : i32
    "tpu.region"() ({
      %run_scoped3A = tpu.sem_alloc : memref<!tpu.dma_semaphore, #tpu.memory_space<semaphore_mem>>
      %dma_start3A_65 = tpu.memref_slice %arg3[%mul3A_52] : memref<4096xi32, #tpu.memory_space<hbm>> -> memref<128xi32, #tpu.memory_space<hbm>>
      %dma_start3A_66 = tpu.memref_slice %arg3[%mul3A_52] : memref<4096xi32, #tpu.memory_space<hbm>> -> memref<128xi32, #tpu.memory_space<hbm>>
      tpu.enqueue_dma source(%dma_start3A_66 : memref<128xi32, #tpu.memory_space<hbm>>) target(%arg16 : memref<128xi32, #tpu.memory_space<vmem>>) target_semaphore(%run_scoped3A : memref<!tpu.dma_semaphore, #tpu.memory_space<semaphore_mem>>)
      %dma_wait3A_67 = tpu.memref_slice %arg3[%mul3A_52] : memref<4096xi32, #tpu.memory_space<hbm>> -> memref<128xi32, #tpu.memory_space<hbm>>
      %dma_wait3A_68 = tpu.memref_slice %arg3[%mul3A_52] : memref<4096xi32, #tpu.memory_space<hbm>> -> memref<128xi32, #tpu.memory_space<hbm>>
      tpu.wait_dma2 semaphore(%run_scoped3A : memref<!tpu.dma_semaphore, #tpu.memory_space<semaphore_mem>>) src(%dma_wait3A_68 : memref<128xi32, #tpu.memory_space<hbm>>) dst(%arg16 : memref<128xi32, #tpu.memory_space<vmem>>)
      tpu.yield
    }) : () -> ()
    %dma_start3A_53 = arith.constant 0 : i32
    %dma_start3A_54 = arith.constant 0 : i32
    %dma_start3A_55 = tpu.memref_slice %arg6[%dma_start3A_53, %dma_start3A_54] : memref<100000x64xf32, #tpu.memory_space<hbm>> -> memref<100000x64xf32, #tpu.memory_space<hbm>>
    tpu.enqueue_indirect_dma source(%dma_start3A_55 : memref<100000x64xf32, #tpu.memory_space<hbm>>) target(%arg17 : memref<128x64xf32, #tpu.memory_space<vmem>>) offsets(%arg16 : memref<128xi32, #tpu.memory_space<vmem>>) semaphore(%arg18 : memref<!tpu.dma_semaphore, #tpu.memory_space<semaphore_mem>>)
    %dma_wait3A_56 = arith.constant 0 : i32
    %dma_wait3A_57 = arith.constant 0 : i32
    %dma_wait3A_58 = tpu.memref_slice %arg6[%dma_wait3A_56, %dma_wait3A_57] : memref<100000x64xf32, #tpu.memory_space<hbm>> -> memref<100000x64xf32, #tpu.memory_space<hbm>>
    tpu.wait_indirect_dma semaphore(%arg18 : memref<!tpu.dma_semaphore, #tpu.memory_space<semaphore_mem>>) src(%dma_wait3A_58 : memref<100000x64xf32, #tpu.memory_space<hbm>>) dst(%arg17 : memref<128x64xf32, #tpu.memory_space<vmem>>)
    "tpu.region"() ({
      %run_scoped3A = tpu.sem_alloc : memref<!tpu.dma_semaphore, #tpu.memory_space<semaphore_mem>>
      %dma_start3A_65 = arith.constant 0 : i32
      %dma_start3A_66 = tpu.memref_slice %arg9[%mul3A_52, %dma_start3A_65] : memref<4096x64xf32, #tpu.memory_space<hbm>> -> memref<128x64xf32, #tpu.memory_space<hbm>>
      %dma_start3A_67 = arith.constant 0 : i32
      %dma_start3A_68 = tpu.memref_slice %arg9[%mul3A_52, %dma_start3A_67] : memref<4096x64xf32, #tpu.memory_space<hbm>> -> memref<128x64xf32, #tpu.memory_space<hbm>>
      tpu.enqueue_dma source(%arg17 : memref<128x64xf32, #tpu.memory_space<vmem>>) target(%dma_start3A_68 : memref<128x64xf32, #tpu.memory_space<hbm>>) target_semaphore(%run_scoped3A : memref<!tpu.dma_semaphore, #tpu.memory_space<semaphore_mem>>)
      %dma_wait3A_69 = arith.constant 0 : i32
      %dma_wait3A_70 = tpu.memref_slice %arg9[%mul3A_52, %dma_wait3A_69] : memref<4096x64xf32, #tpu.memory_space<hbm>> -> memref<128x64xf32, #tpu.memory_space<hbm>>
      %dma_wait3A_71 = arith.constant 0 : i32
      %dma_wait3A_72 = tpu.memref_slice %arg9[%mul3A_52, %dma_wait3A_71] : memref<4096x64xf32, #tpu.memory_space<hbm>> -> memref<128x64xf32, #tpu.memory_space<hbm>>
      tpu.wait_dma2 semaphore(%run_scoped3A : memref<!tpu.dma_semaphore, #tpu.memory_space<semaphore_mem>>) src(%arg17 : memref<128x64xf32, #tpu.memory_space<vmem>>) dst(%dma_wait3A_72 : memref<128x64xf32, #tpu.memory_space<hbm>>)
      tpu.yield
    }) : () -> ()
    "tpu.region"() ({
      %run_scoped3A = tpu.sem_alloc : memref<!tpu.dma_semaphore, #tpu.memory_space<semaphore_mem>>
      %dma_start3A_65 = tpu.memref_slice %arg4[%mul3A_52] : memref<4096xi32, #tpu.memory_space<hbm>> -> memref<128xi32, #tpu.memory_space<hbm>>
      %dma_start3A_66 = tpu.memref_slice %arg4[%mul3A_52] : memref<4096xi32, #tpu.memory_space<hbm>> -> memref<128xi32, #tpu.memory_space<hbm>>
      tpu.enqueue_dma source(%dma_start3A_66 : memref<128xi32, #tpu.memory_space<hbm>>) target(%arg16 : memref<128xi32, #tpu.memory_space<vmem>>) target_semaphore(%run_scoped3A : memref<!tpu.dma_semaphore, #tpu.memory_space<semaphore_mem>>)
      %dma_wait3A_67 = tpu.memref_slice %arg4[%mul3A_52] : memref<4096xi32, #tpu.memory_space<hbm>> -> memref<128xi32, #tpu.memory_space<hbm>>
      %dma_wait3A_68 = tpu.memref_slice %arg4[%mul3A_52] : memref<4096xi32, #tpu.memory_space<hbm>> -> memref<128xi32, #tpu.memory_space<hbm>>
      tpu.wait_dma2 semaphore(%run_scoped3A : memref<!tpu.dma_semaphore, #tpu.memory_space<semaphore_mem>>) src(%dma_wait3A_68 : memref<128xi32, #tpu.memory_space<hbm>>) dst(%arg16 : memref<128xi32, #tpu.memory_space<vmem>>)
      tpu.yield
    }) : () -> ()
    %dma_start3A_59 = arith.constant 0 : i32
    %dma_start3A_60 = arith.constant 0 : i32
    %dma_start3A_61 = tpu.memref_slice %arg7[%dma_start3A_59, %dma_start3A_60] : memref<100000x64xf32, #tpu.memory_space<hbm>> -> memref<100000x64xf32, #tpu.memory_space<hbm>>
    tpu.enqueue_indirect_dma source(%dma_start3A_61 : memref<100000x64xf32, #tpu.memory_space<hbm>>) target(%arg17 : memref<128x64xf32, #tpu.memory_space<vmem>>) offsets(%arg16 : memref<128xi32, #tpu.memory_space<vmem>>) semaphore(%arg18 : memref<!tpu.dma_semaphore, #tpu.memory_space<semaphore_mem>>)
    %dma_wait3A_62 = arith.constant 0 : i32
    %dma_wait3A_63 = arith.constant 0 : i32
    %dma_wait3A_64 = tpu.memref_slice %arg7[%dma_wait3A_62, %dma_wait3A_63] : memref<100000x64xf32, #tpu.memory_space<hbm>> -> memref<100000x64xf32, #tpu.memory_space<hbm>>
    tpu.wait_indirect_dma semaphore(%arg18 : memref<!tpu.dma_semaphore, #tpu.memory_space<semaphore_mem>>) src(%dma_wait3A_64 : memref<100000x64xf32, #tpu.memory_space<hbm>>) dst(%arg17 : memref<128x64xf32, #tpu.memory_space<vmem>>)
    "tpu.region"() ({
      %run_scoped3A = tpu.sem_alloc : memref<!tpu.dma_semaphore, #tpu.memory_space<semaphore_mem>>
      %dma_start3A_65 = arith.constant 0 : i32
      %dma_start3A_66 = tpu.memref_slice %arg10[%mul3A_52, %dma_start3A_65] : memref<4096x64xf32, #tpu.memory_space<hbm>> -> memref<128x64xf32, #tpu.memory_space<hbm>>
      %dma_start3A_67 = arith.constant 0 : i32
      %dma_start3A_68 = tpu.memref_slice %arg10[%mul3A_52, %dma_start3A_67] : memref<4096x64xf32, #tpu.memory_space<hbm>> -> memref<128x64xf32, #tpu.memory_space<hbm>>
      tpu.enqueue_dma source(%arg17 : memref<128x64xf32, #tpu.memory_space<vmem>>) target(%dma_start3A_68 : memref<128x64xf32, #tpu.memory_space<hbm>>) target_semaphore(%run_scoped3A : memref<!tpu.dma_semaphore, #tpu.memory_space<semaphore_mem>>)
      %dma_wait3A_69 = arith.constant 0 : i32
      %dma_wait3A_70 = tpu.memref_slice %arg10[%mul3A_52, %dma_wait3A_69] : memref<4096x64xf32, #tpu.memory_space<hbm>> -> memref<128x64xf32, #tpu.memory_space<hbm>>
      %dma_wait3A_71 = arith.constant 0 : i32
      %dma_wait3A_72 = tpu.memref_slice %arg10[%mul3A_52, %dma_wait3A_71] : memref<4096x64xf32, #tpu.memory_space<hbm>> -> memref<128x64xf32, #tpu.memory_space<hbm>>
      tpu.wait_dma2 semaphore(%run_scoped3A : memref<!tpu.dma_semaphore, #tpu.memory_space<semaphore_mem>>) src(%arg17 : memref<128x64xf32, #tpu.memory_space<vmem>>) dst(%dma_wait3A_72 : memref<128x64xf32, #tpu.memory_space<hbm>>)
      tpu.yield
    }) : () -> ()
    return
  }
}

module attributes {stable_mosaic.version = 14 : i64} {
  func.func @_tc_attn_body(%arg0: i32, %arg1: memref<2048x128xf32, #tpu.memory_space<vmem>>, %arg2: memref<1x4096xf32, #tpu.memory_space<vmem>>, %arg3: memref<64x64xf32, #tpu.memory_space<vmem>>, %arg4: memref<64x64xf32, #tpu.memory_space<vmem>>, %arg5: memref<64x64xf32, #tpu.memory_space<vmem>>, %arg6: memref<1x64xf32, #tpu.memory_space<vmem>>, %arg7: memref<64x64xf32, #tpu.memory_space<vmem>>, %arg8: memref<1x64xf32, #tpu.memory_space<vmem>>, %arg9: memref<64x65xf32, #tpu.memory_space<vmem>>, %arg10: memref<1x65xf32, #tpu.memory_space<vmem>>, %arg11: memref<64x16xf32, #tpu.memory_space<vmem>>, %arg12: memref<64x16xf32, #tpu.memory_space<vmem>>, %arg13: memref<1x16xf32, #tpu.memory_space<vmem>>, %arg14: memref<16x1xf32, #tpu.memory_space<vmem>>, %arg15: memref<1x1xf32, #tpu.memory_space<vmem>>, %arg16: memref<256x256xf32, #tpu.memory_space<vmem>>, %arg17: memref<64x64xf32, #tpu.memory_space<vmem>>) attributes {dimension_semantics = [#tpu.dimension_semantics<arbitrary>], iteration_bounds = array<i64: 64>, scalar_prefetch = 0 : i64, scratch_operands = 0 : i64, tpu.core_type = #tpu.core_type<tc>, window_params = [{transform_indices = @transform_0, window_bounds = array<i64: 2048, 128>}, {transform_indices = @transform_1, window_bounds = array<i64: 1, 4096>}, {transform_indices = @transform_2, window_bounds = array<i64: 64, 64>}, {transform_indices = @transform_3, window_bounds = array<i64: 64, 64>}, {pipeline_mode = #tpu.pipeline_mode<synchronous>, transform_indices = @transform_4, window_bounds = array<i64: 64, 64>}, {pipeline_mode = #tpu.pipeline_mode<synchronous>, transform_indices = @transform_5, window_bounds = array<i64: 1, 64>}, {pipeline_mode = #tpu.pipeline_mode<synchronous>, transform_indices = @transform_6, window_bounds = array<i64: 64, 64>}, {pipeline_mode = #tpu.pipeline_mode<synchronous>, transform_indices = @transform_7, window_bounds = array<i64: 1, 64>}, {pipeline_mode = #tpu.pipeline_mode<synchronous>, transform_indices = @transform_8, window_bounds = array<i64: 64, 65>}, {pipeline_mode = #tpu.pipeline_mode<synchronous>, transform_indices = @transform_9, window_bounds = array<i64: 1, 65>}, {pipeline_mode = #tpu.pipeline_mode<synchronous>, transform_indices = @transform_10, window_bounds = array<i64: 64, 16>}, {pipeline_mode = #tpu.pipeline_mode<synchronous>, transform_indices = @transform_11, window_bounds = array<i64: 64, 16>}, {pipeline_mode = #tpu.pipeline_mode<synchronous>, transform_indices = @transform_12, window_bounds = array<i64: 1, 16>}, {pipeline_mode = #tpu.pipeline_mode<synchronous>, transform_indices = @transform_13, window_bounds = array<i64: 16, 1>}, {pipeline_mode = #tpu.pipeline_mode<synchronous>, transform_indices = @transform_14, window_bounds = array<i64: 1, 1>}, {pipeline_mode = #tpu.pipeline_mode<synchronous>, transform_indices = @transform_15, window_bounds = array<i64: 256, 256>}, {transform_indices = @transform_16, window_bounds = array<i64: 64, 64>}]} {
    %get3A = arith.constant 0 : index
    %get3A_0 = arith.constant 0 : index
    %get3A_1 = vector.load %arg2[%get3A, %get3A_0] : memref<1x4096xf32, #tpu.memory_space<vmem>>, vector<1x4096xf32>
    %transpose3A = tpu.transpose %get3A_1, [1, 0] : vector<1x4096xf32> -> vector<4096x1xf32>
    %get3A_2 = arith.constant 0 : index
    %get3A_3 = arith.constant 0 : index
    %get3A_4 = vector.load %arg1[%get3A_2, %get3A_3] : memref<2048x128xf32, #tpu.memory_space<vmem>>, vector<2048x128xf32>
    %slice3A = vector.extract_strided_slice %get3A_4 {offsets = [0, 0], sizes = [2048, 64], strides = [1, 1]} : vector<2048x128xf32> to vector<2048x64xf32>
    %reshape3A = vector.shape_cast %slice3A : vector<2048x64xf32> to vector<64x32x64xf32>
    %slice3A_5 = vector.extract_strided_slice %get3A_4 {offsets = [0, 64], sizes = [2048, 64], strides = [1, 1]} : vector<2048x128xf32> to vector<2048x64xf32>
    %reshape3A_6 = vector.shape_cast %slice3A_5 : vector<2048x64xf32> to vector<64x32x64xf32>
    %concatenate3A = tpu.concatenate %reshape3A, %reshape3A_6 in 1 : vector<64x32x64xf32>, vector<64x32x64xf32> -> vector<64x64x64xf32>
    %reshape3A_7 = vector.shape_cast %concatenate3A : vector<64x64x64xf32> to vector<4096x64xf32>
    %get3A_8 = arith.constant 0 : index
    %get3A_9 = arith.constant 0 : index
    %get3A_10 = vector.load %arg5[%get3A_8, %get3A_9] : memref<64x64xf32, #tpu.memory_space<vmem>>, vector<64x64xf32>
    %dot_general3A = arith.constant dense<0.000000e+00> : vector<4096x64xf32>
    %dot_general3A_11 = tpu.matmul %reshape3A_7, %get3A_10, %dot_general3A {dimension_numbers = #tpu.dot_dimension_numbers<[1], [0], [0], [1], [0, 0, 1, 1], [], []>, transpose_lhs_hint = false} : vector<4096x64xf32>, vector<64x64xf32>, vector<4096x64xf32> -> vector<4096x64xf32>
    %get3A_12 = arith.constant 0 : index
    %get3A_13 = arith.constant 0 : index
    %get3A_14 = vector.load %arg6[%get3A_12, %get3A_13] : memref<1x64xf32, #tpu.memory_space<vmem>>, vector<1x64xf32>
    %add3A = vector.broadcast %get3A_14 : vector<1x64xf32> to vector<4096x64xf32>
    %add3A_15 = arith.addf %dot_general3A_11, %add3A : vector<4096x64xf32>
    %get3A_16 = arith.constant 0 : index
    %get3A_17 = arith.constant 0 : index
    %get3A_18 = vector.load %arg7[%get3A_16, %get3A_17] : memref<64x64xf32, #tpu.memory_space<vmem>>, vector<64x64xf32>
    %dot_general3A_19 = arith.constant dense<0.000000e+00> : vector<4096x64xf32>
    %dot_general3A_20 = tpu.matmul %reshape3A_7, %get3A_18, %dot_general3A_19 {dimension_numbers = #tpu.dot_dimension_numbers<[1], [0], [0], [1], [0, 0, 1, 1], [], []>, transpose_lhs_hint = false} : vector<4096x64xf32>, vector<64x64xf32>, vector<4096x64xf32> -> vector<4096x64xf32>
    %get3A_21 = arith.constant 0 : index
    %get3A_22 = arith.constant 0 : index
    %get3A_23 = vector.load %arg8[%get3A_21, %get3A_22] : memref<1x64xf32, #tpu.memory_space<vmem>>, vector<1x64xf32>
    %add3A_24 = vector.broadcast %get3A_23 : vector<1x64xf32> to vector<4096x64xf32>
    %add3A_25 = arith.addf %dot_general3A_20, %add3A_24 : vector<4096x64xf32>
    %get3A_26 = arith.constant 0 : index
    %get3A_27 = arith.constant 0 : index
    %get3A_28 = vector.load %arg9[%get3A_26, %get3A_27] : memref<64x65xf32, #tpu.memory_space<vmem>>, vector<64x65xf32>
    %dot_general3A_29 = arith.constant dense<0.000000e+00> : vector<4096x65xf32>
    %dot_general3A_30 = tpu.matmul %reshape3A_7, %get3A_28, %dot_general3A_29 {dimension_numbers = #tpu.dot_dimension_numbers<[1], [0], [0], [1], [0, 0, 1, 1], [], []>, transpose_lhs_hint = false} : vector<4096x64xf32>, vector<64x65xf32>, vector<4096x65xf32> -> vector<4096x65xf32>
    %get3A_31 = arith.constant 0 : index
    %get3A_32 = arith.constant 0 : index
    %get3A_33 = vector.load %arg10[%get3A_31, %get3A_32] : memref<1x65xf32, #tpu.memory_space<vmem>>, vector<1x65xf32>
    %add3A_34 = vector.broadcast %get3A_33 : vector<1x65xf32> to vector<4096x65xf32>
    %add3A_35 = arith.addf %dot_general3A_30, %add3A_34 : vector<4096x65xf32>
    %mul3A = vector.broadcast %transpose3A : vector<4096x1xf32> to vector<4096x65xf32>
    %mul3A_36 = arith.mulf %add3A_35, %mul3A : vector<4096x65xf32>
    %get3A_37 = arith.constant 0 : index
    %get3A_38 = arith.constant 0 : index
    %get3A_39 = vector.load %arg16[%get3A_37, %get3A_38] : memref<256x256xf32, #tpu.memory_space<vmem>>, vector<256x256xf32>
    %slice3A_40 = vector.extract_strided_slice %add3A_15 {offsets = [0, 0], sizes = [256, 64], strides = [1, 1]} : vector<4096x64xf32> to vector<256x64xf32>
    %slice3A_41 = vector.extract_strided_slice %add3A_25 {offsets = [0, 0], sizes = [256, 64], strides = [1, 1]} : vector<4096x64xf32> to vector<256x64xf32>
    %slice3A_42 = vector.extract_strided_slice %mul3A_36 {offsets = [0, 0], sizes = [256, 65], strides = [1, 1]} : vector<4096x65xf32> to vector<256x65xf32>
    %dot_general3A_43 = arith.constant dense<0.000000e+00> : vector<256x256xf32>
    %dot_general3A_44 = tpu.matmul %slice3A_40, %slice3A_41, %dot_general3A_43 {dimension_numbers = #tpu.dot_dimension_numbers<[1], [1], [0], [0], [0, 0, 1, 0], [], []>, transpose_lhs_hint = false} : vector<256x64xf32>, vector<256x64xf32>, vector<256x256xf32> -> vector<256x256xf32>
    %jit3A = arith.constant -5.000000e+01 : f32
    %jit3A_45 = arith.constant 5.000000e+01 : f32
    %max3A = vector.broadcast %jit3A : f32 to vector<256x256xf32>
    %max3A_46 = arith.maximumf %max3A, %dot_general3A_44 : vector<256x256xf32>
    %min3A = vector.broadcast %jit3A_45 : f32 to vector<256x256xf32>
    %min3A_47 = arith.minimumf %min3A, %max3A_46 : vector<256x256xf32>
    %exp3A = math.exp %min3A_47 : vector<256x256xf32>
    %mul3A_48 = arith.mulf %exp3A, %get3A_39 : vector<256x256xf32>
    %dot_general3A_49 = arith.constant dense<0.000000e+00> : vector<256x65xf32>
    %dot_general3A_50 = tpu.matmul %mul3A_48, %slice3A_42, %dot_general3A_49 {dimension_numbers = #tpu.dot_dimension_numbers<[1], [0], [0], [1], [0, 0, 1, 1], [], []>, transpose_lhs_hint = false} : vector<256x256xf32>, vector<256x65xf32>, vector<256x65xf32> -> vector<256x65xf32>
    %slice3A_51 = vector.extract_strided_slice %dot_general3A_50 {offsets = [0, 0], sizes = [256, 64], strides = [1, 1]} : vector<256x65xf32> to vector<256x64xf32>
    %slice3A_52 = vector.extract_strided_slice %dot_general3A_50 {offsets = [0, 64], sizes = [256, 1], strides = [1, 1]} : vector<256x65xf32> to vector<256x1xf32>
    %div3A = arith.constant 1.000000e+00 : f32
    %div3A_53 = vector.broadcast %div3A : f32 to vector<256x1xf32>
    %div3A_54 = arith.divf %div3A_53, %slice3A_52 : vector<256x1xf32>
    %mul3A_55 = vector.broadcast %div3A_54 : vector<256x1xf32> to vector<256x64xf32>
    %mul3A_56 = arith.mulf %slice3A_51, %mul3A_55 : vector<256x64xf32>
    %slice3A_57 = vector.extract_strided_slice %reshape3A_7 {offsets = [0, 0], sizes = [256, 64], strides = [1, 1]} : vector<4096x64xf32> to vector<256x64xf32>
    %add3A_58 = arith.addf %mul3A_56, %slice3A_57 : vector<256x64xf32>
    %slice3A_59 = vector.extract_strided_slice %add3A_15 {offsets = [256, 0], sizes = [256, 64], strides = [1, 1]} : vector<4096x64xf32> to vector<256x64xf32>
    %slice3A_60 = vector.extract_strided_slice %add3A_25 {offsets = [256, 0], sizes = [256, 64], strides = [1, 1]} : vector<4096x64xf32> to vector<256x64xf32>
    %slice3A_61 = vector.extract_strided_slice %mul3A_36 {offsets = [256, 0], sizes = [256, 65], strides = [1, 1]} : vector<4096x65xf32> to vector<256x65xf32>
    %dot_general3A_62 = arith.constant dense<0.000000e+00> : vector<256x256xf32>
    %dot_general3A_63 = tpu.matmul %slice3A_59, %slice3A_60, %dot_general3A_62 {dimension_numbers = #tpu.dot_dimension_numbers<[1], [1], [0], [0], [0, 0, 1, 0], [], []>, transpose_lhs_hint = false} : vector<256x64xf32>, vector<256x64xf32>, vector<256x256xf32> -> vector<256x256xf32>
    %jit3A_64 = arith.constant -5.000000e+01 : f32
    %jit3A_65 = arith.constant 5.000000e+01 : f32
    %max3A_66 = vector.broadcast %jit3A_64 : f32 to vector<256x256xf32>
    %max3A_67 = arith.maximumf %max3A_66, %dot_general3A_63 : vector<256x256xf32>
    %min3A_68 = vector.broadcast %jit3A_65 : f32 to vector<256x256xf32>
    %min3A_69 = arith.minimumf %min3A_68, %max3A_67 : vector<256x256xf32>
    %exp3A_70 = math.exp %min3A_69 : vector<256x256xf32>
    %mul3A_71 = arith.mulf %exp3A_70, %get3A_39 : vector<256x256xf32>
    %dot_general3A_72 = arith.constant dense<0.000000e+00> : vector<256x65xf32>
    %dot_general3A_73 = tpu.matmul %mul3A_71, %slice3A_61, %dot_general3A_72 {dimension_numbers = #tpu.dot_dimension_numbers<[1], [0], [0], [1], [0, 0, 1, 1], [], []>, transpose_lhs_hint = false} : vector<256x256xf32>, vector<256x65xf32>, vector<256x65xf32> -> vector<256x65xf32>
    %slice3A_74 = vector.extract_strided_slice %dot_general3A_73 {offsets = [0, 0], sizes = [256, 64], strides = [1, 1]} : vector<256x65xf32> to vector<256x64xf32>
    %slice3A_75 = vector.extract_strided_slice %dot_general3A_73 {offsets = [0, 64], sizes = [256, 1], strides = [1, 1]} : vector<256x65xf32> to vector<256x1xf32>
    %div3A_76 = arith.constant 1.000000e+00 : f32
    %div3A_77 = vector.broadcast %div3A_76 : f32 to vector<256x1xf32>
    %div3A_78 = arith.divf %div3A_77, %slice3A_75 : vector<256x1xf32>
    %mul3A_79 = vector.broadcast %div3A_78 : vector<256x1xf32> to vector<256x64xf32>
    %mul3A_80 = arith.mulf %slice3A_74, %mul3A_79 : vector<256x64xf32>
    %slice3A_81 = vector.extract_strided_slice %reshape3A_7 {offsets = [256, 0], sizes = [256, 64], strides = [1, 1]} : vector<4096x64xf32> to vector<256x64xf32>
    %add3A_82 = arith.addf %mul3A_80, %slice3A_81 : vector<256x64xf32>
    %slice3A_83 = vector.extract_strided_slice %add3A_15 {offsets = [512, 0], sizes = [256, 64], strides = [1, 1]} : vector<4096x64xf32> to vector<256x64xf32>
    %slice3A_84 = vector.extract_strided_slice %add3A_25 {offsets = [512, 0], sizes = [256, 64], strides = [1, 1]} : vector<4096x64xf32> to vector<256x64xf32>
    %slice3A_85 = vector.extract_strided_slice %mul3A_36 {offsets = [512, 0], sizes = [256, 65], strides = [1, 1]} : vector<4096x65xf32> to vector<256x65xf32>
    %dot_general3A_86 = arith.constant dense<0.000000e+00> : vector<256x256xf32>
    %dot_general3A_87 = tpu.matmul %slice3A_83, %slice3A_84, %dot_general3A_86 {dimension_numbers = #tpu.dot_dimension_numbers<[1], [1], [0], [0], [0, 0, 1, 0], [], []>, transpose_lhs_hint = false} : vector<256x64xf32>, vector<256x64xf32>, vector<256x256xf32> -> vector<256x256xf32>
    %jit3A_88 = arith.constant -5.000000e+01 : f32
    %jit3A_89 = arith.constant 5.000000e+01 : f32
    %max3A_90 = vector.broadcast %jit3A_88 : f32 to vector<256x256xf32>
    %max3A_91 = arith.maximumf %max3A_90, %dot_general3A_87 : vector<256x256xf32>
    %min3A_92 = vector.broadcast %jit3A_89 : f32 to vector<256x256xf32>
    %min3A_93 = arith.minimumf %min3A_92, %max3A_91 : vector<256x256xf32>
    %exp3A_94 = math.exp %min3A_93 : vector<256x256xf32>
    %mul3A_95 = arith.mulf %exp3A_94, %get3A_39 : vector<256x256xf32>
    %dot_general3A_96 = arith.constant dense<0.000000e+00> : vector<256x65xf32>
    %dot_general3A_97 = tpu.matmul %mul3A_95, %slice3A_85, %dot_general3A_96 {dimension_numbers = #tpu.dot_dimension_numbers<[1], [0], [0], [1], [0, 0, 1, 1], [], []>, transpose_lhs_hint = false} : vector<256x256xf32>, vector<256x65xf32>, vector<256x65xf32> -> vector<256x65xf32>
    %slice3A_98 = vector.extract_strided_slice %dot_general3A_97 {offsets = [0, 0], sizes = [256, 64], strides = [1, 1]} : vector<256x65xf32> to vector<256x64xf32>
    %slice3A_99 = vector.extract_strided_slice %dot_general3A_97 {offsets = [0, 64], sizes = [256, 1], strides = [1, 1]} : vector<256x65xf32> to vector<256x1xf32>
    %div3A_100 = arith.constant 1.000000e+00 : f32
    %div3A_101 = vector.broadcast %div3A_100 : f32 to vector<256x1xf32>
    %div3A_102 = arith.divf %div3A_101, %slice3A_99 : vector<256x1xf32>
    %mul3A_103 = vector.broadcast %div3A_102 : vector<256x1xf32> to vector<256x64xf32>
    %mul3A_104 = arith.mulf %slice3A_98, %mul3A_103 : vector<256x64xf32>
    %slice3A_105 = vector.extract_strided_slice %reshape3A_7 {offsets = [512, 0], sizes = [256, 64], strides = [1, 1]} : vector<4096x64xf32> to vector<256x64xf32>
    %add3A_106 = arith.addf %mul3A_104, %slice3A_105 : vector<256x64xf32>
    %slice3A_107 = vector.extract_strided_slice %add3A_15 {offsets = [768, 0], sizes = [256, 64], strides = [1, 1]} : vector<4096x64xf32> to vector<256x64xf32>
    %slice3A_108 = vector.extract_strided_slice %add3A_25 {offsets = [768, 0], sizes = [256, 64], strides = [1, 1]} : vector<4096x64xf32> to vector<256x64xf32>
    %slice3A_109 = vector.extract_strided_slice %mul3A_36 {offsets = [768, 0], sizes = [256, 65], strides = [1, 1]} : vector<4096x65xf32> to vector<256x65xf32>
    %dot_general3A_110 = arith.constant dense<0.000000e+00> : vector<256x256xf32>
    %dot_general3A_111 = tpu.matmul %slice3A_107, %slice3A_108, %dot_general3A_110 {dimension_numbers = #tpu.dot_dimension_numbers<[1], [1], [0], [0], [0, 0, 1, 0], [], []>, transpose_lhs_hint = false} : vector<256x64xf32>, vector<256x64xf32>, vector<256x256xf32> -> vector<256x256xf32>
    %jit3A_112 = arith.constant -5.000000e+01 : f32
    %jit3A_113 = arith.constant 5.000000e+01 : f32
    %max3A_114 = vector.broadcast %jit3A_112 : f32 to vector<256x256xf32>
    %max3A_115 = arith.maximumf %max3A_114, %dot_general3A_111 : vector<256x256xf32>
    %min3A_116 = vector.broadcast %jit3A_113 : f32 to vector<256x256xf32>
    %min3A_117 = arith.minimumf %min3A_116, %max3A_115 : vector<256x256xf32>
    %exp3A_118 = math.exp %min3A_117 : vector<256x256xf32>
    %mul3A_119 = arith.mulf %exp3A_118, %get3A_39 : vector<256x256xf32>
    %dot_general3A_120 = arith.constant dense<0.000000e+00> : vector<256x65xf32>
    %dot_general3A_121 = tpu.matmul %mul3A_119, %slice3A_109, %dot_general3A_120 {dimension_numbers = #tpu.dot_dimension_numbers<[1], [0], [0], [1], [0, 0, 1, 1], [], []>, transpose_lhs_hint = false} : vector<256x256xf32>, vector<256x65xf32>, vector<256x65xf32> -> vector<256x65xf32>
    %slice3A_122 = vector.extract_strided_slice %dot_general3A_121 {offsets = [0, 0], sizes = [256, 64], strides = [1, 1]} : vector<256x65xf32> to vector<256x64xf32>
    %slice3A_123 = vector.extract_strided_slice %dot_general3A_121 {offsets = [0, 64], sizes = [256, 1], strides = [1, 1]} : vector<256x65xf32> to vector<256x1xf32>
    %div3A_124 = arith.constant 1.000000e+00 : f32
    %div3A_125 = vector.broadcast %div3A_124 : f32 to vector<256x1xf32>
    %div3A_126 = arith.divf %div3A_125, %slice3A_123 : vector<256x1xf32>
    %mul3A_127 = vector.broadcast %div3A_126 : vector<256x1xf32> to vector<256x64xf32>
    %mul3A_128 = arith.mulf %slice3A_122, %mul3A_127 : vector<256x64xf32>
    %slice3A_129 = vector.extract_strided_slice %reshape3A_7 {offsets = [768, 0], sizes = [256, 64], strides = [1, 1]} : vector<4096x64xf32> to vector<256x64xf32>
    %add3A_130 = arith.addf %mul3A_128, %slice3A_129 : vector<256x64xf32>
    %slice3A_131 = vector.extract_strided_slice %add3A_15 {offsets = [1024, 0], sizes = [256, 64], strides = [1, 1]} : vector<4096x64xf32> to vector<256x64xf32>
    %slice3A_132 = vector.extract_strided_slice %add3A_25 {offsets = [1024, 0], sizes = [256, 64], strides = [1, 1]} : vector<4096x64xf32> to vector<256x64xf32>
    %slice3A_133 = vector.extract_strided_slice %mul3A_36 {offsets = [1024, 0], sizes = [256, 65], strides = [1, 1]} : vector<4096x65xf32> to vector<256x65xf32>
    %dot_general3A_134 = arith.constant dense<0.000000e+00> : vector<256x256xf32>
    %dot_general3A_135 = tpu.matmul %slice3A_131, %slice3A_132, %dot_general3A_134 {dimension_numbers = #tpu.dot_dimension_numbers<[1], [1], [0], [0], [0, 0, 1, 0], [], []>, transpose_lhs_hint = false} : vector<256x64xf32>, vector<256x64xf32>, vector<256x256xf32> -> vector<256x256xf32>
    %jit3A_136 = arith.constant -5.000000e+01 : f32
    %jit3A_137 = arith.constant 5.000000e+01 : f32
    %max3A_138 = vector.broadcast %jit3A_136 : f32 to vector<256x256xf32>
    %max3A_139 = arith.maximumf %max3A_138, %dot_general3A_135 : vector<256x256xf32>
    %min3A_140 = vector.broadcast %jit3A_137 : f32 to vector<256x256xf32>
    %min3A_141 = arith.minimumf %min3A_140, %max3A_139 : vector<256x256xf32>
    %exp3A_142 = math.exp %min3A_141 : vector<256x256xf32>
    %mul3A_143 = arith.mulf %exp3A_142, %get3A_39 : vector<256x256xf32>
    %dot_general3A_144 = arith.constant dense<0.000000e+00> : vector<256x65xf32>
    %dot_general3A_145 = tpu.matmul %mul3A_143, %slice3A_133, %dot_general3A_144 {dimension_numbers = #tpu.dot_dimension_numbers<[1], [0], [0], [1], [0, 0, 1, 1], [], []>, transpose_lhs_hint = false} : vector<256x256xf32>, vector<256x65xf32>, vector<256x65xf32> -> vector<256x65xf32>
    %slice3A_146 = vector.extract_strided_slice %dot_general3A_145 {offsets = [0, 0], sizes = [256, 64], strides = [1, 1]} : vector<256x65xf32> to vector<256x64xf32>
    %slice3A_147 = vector.extract_strided_slice %dot_general3A_145 {offsets = [0, 64], sizes = [256, 1], strides = [1, 1]} : vector<256x65xf32> to vector<256x1xf32>
    %div3A_148 = arith.constant 1.000000e+00 : f32
    %div3A_149 = vector.broadcast %div3A_148 : f32 to vector<256x1xf32>
    %div3A_150 = arith.divf %div3A_149, %slice3A_147 : vector<256x1xf32>
    %mul3A_151 = vector.broadcast %div3A_150 : vector<256x1xf32> to vector<256x64xf32>
    %mul3A_152 = arith.mulf %slice3A_146, %mul3A_151 : vector<256x64xf32>
    %slice3A_153 = vector.extract_strided_slice %reshape3A_7 {offsets = [1024, 0], sizes = [256, 64], strides = [1, 1]} : vector<4096x64xf32> to vector<256x64xf32>
    %add3A_154 = arith.addf %mul3A_152, %slice3A_153 : vector<256x64xf32>
    %slice3A_155 = vector.extract_strided_slice %add3A_15 {offsets = [1280, 0], sizes = [256, 64], strides = [1, 1]} : vector<4096x64xf32> to vector<256x64xf32>
    %slice3A_156 = vector.extract_strided_slice %add3A_25 {offsets = [1280, 0], sizes = [256, 64], strides = [1, 1]} : vector<4096x64xf32> to vector<256x64xf32>
    %slice3A_157 = vector.extract_strided_slice %mul3A_36 {offsets = [1280, 0], sizes = [256, 65], strides = [1, 1]} : vector<4096x65xf32> to vector<256x65xf32>
    %dot_general3A_158 = arith.constant dense<0.000000e+00> : vector<256x256xf32>
    %dot_general3A_159 = tpu.matmul %slice3A_155, %slice3A_156, %dot_general3A_158 {dimension_numbers = #tpu.dot_dimension_numbers<[1], [1], [0], [0], [0, 0, 1, 0], [], []>, transpose_lhs_hint = false} : vector<256x64xf32>, vector<256x64xf32>, vector<256x256xf32> -> vector<256x256xf32>
    %jit3A_160 = arith.constant -5.000000e+01 : f32
    %jit3A_161 = arith.constant 5.000000e+01 : f32
    %max3A_162 = vector.broadcast %jit3A_160 : f32 to vector<256x256xf32>
    %max3A_163 = arith.maximumf %max3A_162, %dot_general3A_159 : vector<256x256xf32>
    %min3A_164 = vector.broadcast %jit3A_161 : f32 to vector<256x256xf32>
    %min3A_165 = arith.minimumf %min3A_164, %max3A_163 : vector<256x256xf32>
    %exp3A_166 = math.exp %min3A_165 : vector<256x256xf32>
    %mul3A_167 = arith.mulf %exp3A_166, %get3A_39 : vector<256x256xf32>
    %dot_general3A_168 = arith.constant dense<0.000000e+00> : vector<256x65xf32>
    %dot_general3A_169 = tpu.matmul %mul3A_167, %slice3A_157, %dot_general3A_168 {dimension_numbers = #tpu.dot_dimension_numbers<[1], [0], [0], [1], [0, 0, 1, 1], [], []>, transpose_lhs_hint = false} : vector<256x256xf32>, vector<256x65xf32>, vector<256x65xf32> -> vector<256x65xf32>
    %slice3A_170 = vector.extract_strided_slice %dot_general3A_169 {offsets = [0, 0], sizes = [256, 64], strides = [1, 1]} : vector<256x65xf32> to vector<256x64xf32>
    %slice3A_171 = vector.extract_strided_slice %dot_general3A_169 {offsets = [0, 64], sizes = [256, 1], strides = [1, 1]} : vector<256x65xf32> to vector<256x1xf32>
    %div3A_172 = arith.constant 1.000000e+00 : f32
    %div3A_173 = vector.broadcast %div3A_172 : f32 to vector<256x1xf32>
    %div3A_174 = arith.divf %div3A_173, %slice3A_171 : vector<256x1xf32>
    %mul3A_175 = vector.broadcast %div3A_174 : vector<256x1xf32> to vector<256x64xf32>
    %mul3A_176 = arith.mulf %slice3A_170, %mul3A_175 : vector<256x64xf32>
    %slice3A_177 = vector.extract_strided_slice %reshape3A_7 {offsets = [1280, 0], sizes = [256, 64], strides = [1, 1]} : vector<4096x64xf32> to vector<256x64xf32>
    %add3A_178 = arith.addf %mul3A_176, %slice3A_177 : vector<256x64xf32>
    %slice3A_179 = vector.extract_strided_slice %add3A_15 {offsets = [1536, 0], sizes = [256, 64], strides = [1, 1]} : vector<4096x64xf32> to vector<256x64xf32>
    %slice3A_180 = vector.extract_strided_slice %add3A_25 {offsets = [1536, 0], sizes = [256, 64], strides = [1, 1]} : vector<4096x64xf32> to vector<256x64xf32>
    %slice3A_181 = vector.extract_strided_slice %mul3A_36 {offsets = [1536, 0], sizes = [256, 65], strides = [1, 1]} : vector<4096x65xf32> to vector<256x65xf32>
    %dot_general3A_182 = arith.constant dense<0.000000e+00> : vector<256x256xf32>
    %dot_general3A_183 = tpu.matmul %slice3A_179, %slice3A_180, %dot_general3A_182 {dimension_numbers = #tpu.dot_dimension_numbers<[1], [1], [0], [0], [0, 0, 1, 0], [], []>, transpose_lhs_hint = false} : vector<256x64xf32>, vector<256x64xf32>, vector<256x256xf32> -> vector<256x256xf32>
    %jit3A_184 = arith.constant -5.000000e+01 : f32
    %jit3A_185 = arith.constant 5.000000e+01 : f32
    %max3A_186 = vector.broadcast %jit3A_184 : f32 to vector<256x256xf32>
    %max3A_187 = arith.maximumf %max3A_186, %dot_general3A_183 : vector<256x256xf32>
    %min3A_188 = vector.broadcast %jit3A_185 : f32 to vector<256x256xf32>
    %min3A_189 = arith.minimumf %min3A_188, %max3A_187 : vector<256x256xf32>
    %exp3A_190 = math.exp %min3A_189 : vector<256x256xf32>
    %mul3A_191 = arith.mulf %exp3A_190, %get3A_39 : vector<256x256xf32>
    %dot_general3A_192 = arith.constant dense<0.000000e+00> : vector<256x65xf32>
    %dot_general3A_193 = tpu.matmul %mul3A_191, %slice3A_181, %dot_general3A_192 {dimension_numbers = #tpu.dot_dimension_numbers<[1], [0], [0], [1], [0, 0, 1, 1], [], []>, transpose_lhs_hint = false} : vector<256x256xf32>, vector<256x65xf32>, vector<256x65xf32> -> vector<256x65xf32>
    %slice3A_194 = vector.extract_strided_slice %dot_general3A_193 {offsets = [0, 0], sizes = [256, 64], strides = [1, 1]} : vector<256x65xf32> to vector<256x64xf32>
    %slice3A_195 = vector.extract_strided_slice %dot_general3A_193 {offsets = [0, 64], sizes = [256, 1], strides = [1, 1]} : vector<256x65xf32> to vector<256x1xf32>
    %div3A_196 = arith.constant 1.000000e+00 : f32
    %div3A_197 = vector.broadcast %div3A_196 : f32 to vector<256x1xf32>
    %div3A_198 = arith.divf %div3A_197, %slice3A_195 : vector<256x1xf32>
    %mul3A_199 = vector.broadcast %div3A_198 : vector<256x1xf32> to vector<256x64xf32>
    %mul3A_200 = arith.mulf %slice3A_194, %mul3A_199 : vector<256x64xf32>
    %slice3A_201 = vector.extract_strided_slice %reshape3A_7 {offsets = [1536, 0], sizes = [256, 64], strides = [1, 1]} : vector<4096x64xf32> to vector<256x64xf32>
    %add3A_202 = arith.addf %mul3A_200, %slice3A_201 : vector<256x64xf32>
    %slice3A_203 = vector.extract_strided_slice %add3A_15 {offsets = [1792, 0], sizes = [256, 64], strides = [1, 1]} : vector<4096x64xf32> to vector<256x64xf32>
    %slice3A_204 = vector.extract_strided_slice %add3A_25 {offsets = [1792, 0], sizes = [256, 64], strides = [1, 1]} : vector<4096x64xf32> to vector<256x64xf32>
    %slice3A_205 = vector.extract_strided_slice %mul3A_36 {offsets = [1792, 0], sizes = [256, 65], strides = [1, 1]} : vector<4096x65xf32> to vector<256x65xf32>
    %dot_general3A_206 = arith.constant dense<0.000000e+00> : vector<256x256xf32>
    %dot_general3A_207 = tpu.matmul %slice3A_203, %slice3A_204, %dot_general3A_206 {dimension_numbers = #tpu.dot_dimension_numbers<[1], [1], [0], [0], [0, 0, 1, 0], [], []>, transpose_lhs_hint = false} : vector<256x64xf32>, vector<256x64xf32>, vector<256x256xf32> -> vector<256x256xf32>
    %jit3A_208 = arith.constant -5.000000e+01 : f32
    %jit3A_209 = arith.constant 5.000000e+01 : f32
    %max3A_210 = vector.broadcast %jit3A_208 : f32 to vector<256x256xf32>
    %max3A_211 = arith.maximumf %max3A_210, %dot_general3A_207 : vector<256x256xf32>
    %min3A_212 = vector.broadcast %jit3A_209 : f32 to vector<256x256xf32>
    %min3A_213 = arith.minimumf %min3A_212, %max3A_211 : vector<256x256xf32>
    %exp3A_214 = math.exp %min3A_213 : vector<256x256xf32>
    %mul3A_215 = arith.mulf %exp3A_214, %get3A_39 : vector<256x256xf32>
    %dot_general3A_216 = arith.constant dense<0.000000e+00> : vector<256x65xf32>
    %dot_general3A_217 = tpu.matmul %mul3A_215, %slice3A_205, %dot_general3A_216 {dimension_numbers = #tpu.dot_dimension_numbers<[1], [0], [0], [1], [0, 0, 1, 1], [], []>, transpose_lhs_hint = false} : vector<256x256xf32>, vector<256x65xf32>, vector<256x65xf32> -> vector<256x65xf32>
    %slice3A_218 = vector.extract_strided_slice %dot_general3A_217 {offsets = [0, 0], sizes = [256, 64], strides = [1, 1]} : vector<256x65xf32> to vector<256x64xf32>
    %slice3A_219 = vector.extract_strided_slice %dot_general3A_217 {offsets = [0, 64], sizes = [256, 1], strides = [1, 1]} : vector<256x65xf32> to vector<256x1xf32>
    %div3A_220 = arith.constant 1.000000e+00 : f32
    %div3A_221 = vector.broadcast %div3A_220 : f32 to vector<256x1xf32>
    %div3A_222 = arith.divf %div3A_221, %slice3A_219 : vector<256x1xf32>
    %mul3A_223 = vector.broadcast %div3A_222 : vector<256x1xf32> to vector<256x64xf32>
    %mul3A_224 = arith.mulf %slice3A_218, %mul3A_223 : vector<256x64xf32>
    %slice3A_225 = vector.extract_strided_slice %reshape3A_7 {offsets = [1792, 0], sizes = [256, 64], strides = [1, 1]} : vector<4096x64xf32> to vector<256x64xf32>
    %add3A_226 = arith.addf %mul3A_224, %slice3A_225 : vector<256x64xf32>
    %slice3A_227 = vector.extract_strided_slice %add3A_15 {offsets = [2048, 0], sizes = [256, 64], strides = [1, 1]} : vector<4096x64xf32> to vector<256x64xf32>
    %slice3A_228 = vector.extract_strided_slice %add3A_25 {offsets = [2048, 0], sizes = [256, 64], strides = [1, 1]} : vector<4096x64xf32> to vector<256x64xf32>
    %slice3A_229 = vector.extract_strided_slice %mul3A_36 {offsets = [2048, 0], sizes = [256, 65], strides = [1, 1]} : vector<4096x65xf32> to vector<256x65xf32>
    %dot_general3A_230 = arith.constant dense<0.000000e+00> : vector<256x256xf32>
    %dot_general3A_231 = tpu.matmul %slice3A_227, %slice3A_228, %dot_general3A_230 {dimension_numbers = #tpu.dot_dimension_numbers<[1], [1], [0], [0], [0, 0, 1, 0], [], []>, transpose_lhs_hint = false} : vector<256x64xf32>, vector<256x64xf32>, vector<256x256xf32> -> vector<256x256xf32>
    %jit3A_232 = arith.constant -5.000000e+01 : f32
    %jit3A_233 = arith.constant 5.000000e+01 : f32
    %max3A_234 = vector.broadcast %jit3A_232 : f32 to vector<256x256xf32>
    %max3A_235 = arith.maximumf %max3A_234, %dot_general3A_231 : vector<256x256xf32>
    %min3A_236 = vector.broadcast %jit3A_233 : f32 to vector<256x256xf32>
    %min3A_237 = arith.minimumf %min3A_236, %max3A_235 : vector<256x256xf32>
    %exp3A_238 = math.exp %min3A_237 : vector<256x256xf32>
    %mul3A_239 = arith.mulf %exp3A_238, %get3A_39 : vector<256x256xf32>
    %dot_general3A_240 = arith.constant dense<0.000000e+00> : vector<256x65xf32>
    %dot_general3A_241 = tpu.matmul %mul3A_239, %slice3A_229, %dot_general3A_240 {dimension_numbers = #tpu.dot_dimension_numbers<[1], [0], [0], [1], [0, 0, 1, 1], [], []>, transpose_lhs_hint = false} : vector<256x256xf32>, vector<256x65xf32>, vector<256x65xf32> -> vector<256x65xf32>
    %slice3A_242 = vector.extract_strided_slice %dot_general3A_241 {offsets = [0, 0], sizes = [256, 64], strides = [1, 1]} : vector<256x65xf32> to vector<256x64xf32>
    %slice3A_243 = vector.extract_strided_slice %dot_general3A_241 {offsets = [0, 64], sizes = [256, 1], strides = [1, 1]} : vector<256x65xf32> to vector<256x1xf32>
    %div3A_244 = arith.constant 1.000000e+00 : f32
    %div3A_245 = vector.broadcast %div3A_244 : f32 to vector<256x1xf32>
    %div3A_246 = arith.divf %div3A_245, %slice3A_243 : vector<256x1xf32>
    %mul3A_247 = vector.broadcast %div3A_246 : vector<256x1xf32> to vector<256x64xf32>
    %mul3A_248 = arith.mulf %slice3A_242, %mul3A_247 : vector<256x64xf32>
    %slice3A_249 = vector.extract_strided_slice %reshape3A_7 {offsets = [2048, 0], sizes = [256, 64], strides = [1, 1]} : vector<4096x64xf32> to vector<256x64xf32>
    %add3A_250 = arith.addf %mul3A_248, %slice3A_249 : vector<256x64xf32>
    %slice3A_251 = vector.extract_strided_slice %add3A_15 {offsets = [2304, 0], sizes = [256, 64], strides = [1, 1]} : vector<4096x64xf32> to vector<256x64xf32>
    %slice3A_252 = vector.extract_strided_slice %add3A_25 {offsets = [2304, 0], sizes = [256, 64], strides = [1, 1]} : vector<4096x64xf32> to vector<256x64xf32>
    %slice3A_253 = vector.extract_strided_slice %mul3A_36 {offsets = [2304, 0], sizes = [256, 65], strides = [1, 1]} : vector<4096x65xf32> to vector<256x65xf32>
    %dot_general3A_254 = arith.constant dense<0.000000e+00> : vector<256x256xf32>
    %dot_general3A_255 = tpu.matmul %slice3A_251, %slice3A_252, %dot_general3A_254 {dimension_numbers = #tpu.dot_dimension_numbers<[1], [1], [0], [0], [0, 0, 1, 0], [], []>, transpose_lhs_hint = false} : vector<256x64xf32>, vector<256x64xf32>, vector<256x256xf32> -> vector<256x256xf32>
    %jit3A_256 = arith.constant -5.000000e+01 : f32
    %jit3A_257 = arith.constant 5.000000e+01 : f32
    %max3A_258 = vector.broadcast %jit3A_256 : f32 to vector<256x256xf32>
    %max3A_259 = arith.maximumf %max3A_258, %dot_general3A_255 : vector<256x256xf32>
    %min3A_260 = vector.broadcast %jit3A_257 : f32 to vector<256x256xf32>
    %min3A_261 = arith.minimumf %min3A_260, %max3A_259 : vector<256x256xf32>
    %exp3A_262 = math.exp %min3A_261 : vector<256x256xf32>
    %mul3A_263 = arith.mulf %exp3A_262, %get3A_39 : vector<256x256xf32>
    %dot_general3A_264 = arith.constant dense<0.000000e+00> : vector<256x65xf32>
    %dot_general3A_265 = tpu.matmul %mul3A_263, %slice3A_253, %dot_general3A_264 {dimension_numbers = #tpu.dot_dimension_numbers<[1], [0], [0], [1], [0, 0, 1, 1], [], []>, transpose_lhs_hint = false} : vector<256x256xf32>, vector<256x65xf32>, vector<256x65xf32> -> vector<256x65xf32>
    %slice3A_266 = vector.extract_strided_slice %dot_general3A_265 {offsets = [0, 0], sizes = [256, 64], strides = [1, 1]} : vector<256x65xf32> to vector<256x64xf32>
    %slice3A_267 = vector.extract_strided_slice %dot_general3A_265 {offsets = [0, 64], sizes = [256, 1], strides = [1, 1]} : vector<256x65xf32> to vector<256x1xf32>
    %div3A_268 = arith.constant 1.000000e+00 : f32
    %div3A_269 = vector.broadcast %div3A_268 : f32 to vector<256x1xf32>
    %div3A_270 = arith.divf %div3A_269, %slice3A_267 : vector<256x1xf32>
    %mul3A_271 = vector.broadcast %div3A_270 : vector<256x1xf32> to vector<256x64xf32>
    %mul3A_272 = arith.mulf %slice3A_266, %mul3A_271 : vector<256x64xf32>
    %slice3A_273 = vector.extract_strided_slice %reshape3A_7 {offsets = [2304, 0], sizes = [256, 64], strides = [1, 1]} : vector<4096x64xf32> to vector<256x64xf32>
    %add3A_274 = arith.addf %mul3A_272, %slice3A_273 : vector<256x64xf32>
    %slice3A_275 = vector.extract_strided_slice %add3A_15 {offsets = [2560, 0], sizes = [256, 64], strides = [1, 1]} : vector<4096x64xf32> to vector<256x64xf32>
    %slice3A_276 = vector.extract_strided_slice %add3A_25 {offsets = [2560, 0], sizes = [256, 64], strides = [1, 1]} : vector<4096x64xf32> to vector<256x64xf32>
    %slice3A_277 = vector.extract_strided_slice %mul3A_36 {offsets = [2560, 0], sizes = [256, 65], strides = [1, 1]} : vector<4096x65xf32> to vector<256x65xf32>
    %dot_general3A_278 = arith.constant dense<0.000000e+00> : vector<256x256xf32>
    %dot_general3A_279 = tpu.matmul %slice3A_275, %slice3A_276, %dot_general3A_278 {dimension_numbers = #tpu.dot_dimension_numbers<[1], [1], [0], [0], [0, 0, 1, 0], [], []>, transpose_lhs_hint = false} : vector<256x64xf32>, vector<256x64xf32>, vector<256x256xf32> -> vector<256x256xf32>
    %jit3A_280 = arith.constant -5.000000e+01 : f32
    %jit3A_281 = arith.constant 5.000000e+01 : f32
    %max3A_282 = vector.broadcast %jit3A_280 : f32 to vector<256x256xf32>
    %max3A_283 = arith.maximumf %max3A_282, %dot_general3A_279 : vector<256x256xf32>
    %min3A_284 = vector.broadcast %jit3A_281 : f32 to vector<256x256xf32>
    %min3A_285 = arith.minimumf %min3A_284, %max3A_283 : vector<256x256xf32>
    %exp3A_286 = math.exp %min3A_285 : vector<256x256xf32>
    %mul3A_287 = arith.mulf %exp3A_286, %get3A_39 : vector<256x256xf32>
    %dot_general3A_288 = arith.constant dense<0.000000e+00> : vector<256x65xf32>
    %dot_general3A_289 = tpu.matmul %mul3A_287, %slice3A_277, %dot_general3A_288 {dimension_numbers = #tpu.dot_dimension_numbers<[1], [0], [0], [1], [0, 0, 1, 1], [], []>, transpose_lhs_hint = false} : vector<256x256xf32>, vector<256x65xf32>, vector<256x65xf32> -> vector<256x65xf32>
    %slice3A_290 = vector.extract_strided_slice %dot_general3A_289 {offsets = [0, 0], sizes = [256, 64], strides = [1, 1]} : vector<256x65xf32> to vector<256x64xf32>
    %slice3A_291 = vector.extract_strided_slice %dot_general3A_289 {offsets = [0, 64], sizes = [256, 1], strides = [1, 1]} : vector<256x65xf32> to vector<256x1xf32>
    %div3A_292 = arith.constant 1.000000e+00 : f32
    %div3A_293 = vector.broadcast %div3A_292 : f32 to vector<256x1xf32>
    %div3A_294 = arith.divf %div3A_293, %slice3A_291 : vector<256x1xf32>
    %mul3A_295 = vector.broadcast %div3A_294 : vector<256x1xf32> to vector<256x64xf32>
    %mul3A_296 = arith.mulf %slice3A_290, %mul3A_295 : vector<256x64xf32>
    %slice3A_297 = vector.extract_strided_slice %reshape3A_7 {offsets = [2560, 0], sizes = [256, 64], strides = [1, 1]} : vector<4096x64xf32> to vector<256x64xf32>
    %add3A_298 = arith.addf %mul3A_296, %slice3A_297 : vector<256x64xf32>
    %slice3A_299 = vector.extract_strided_slice %add3A_15 {offsets = [2816, 0], sizes = [256, 64], strides = [1, 1]} : vector<4096x64xf32> to vector<256x64xf32>
    %slice3A_300 = vector.extract_strided_slice %add3A_25 {offsets = [2816, 0], sizes = [256, 64], strides = [1, 1]} : vector<4096x64xf32> to vector<256x64xf32>
    %slice3A_301 = vector.extract_strided_slice %mul3A_36 {offsets = [2816, 0], sizes = [256, 65], strides = [1, 1]} : vector<4096x65xf32> to vector<256x65xf32>
    %dot_general3A_302 = arith.constant dense<0.000000e+00> : vector<256x256xf32>
    %dot_general3A_303 = tpu.matmul %slice3A_299, %slice3A_300, %dot_general3A_302 {dimension_numbers = #tpu.dot_dimension_numbers<[1], [1], [0], [0], [0, 0, 1, 0], [], []>, transpose_lhs_hint = false} : vector<256x64xf32>, vector<256x64xf32>, vector<256x256xf32> -> vector<256x256xf32>
    %jit3A_304 = arith.constant -5.000000e+01 : f32
    %jit3A_305 = arith.constant 5.000000e+01 : f32
    %max3A_306 = vector.broadcast %jit3A_304 : f32 to vector<256x256xf32>
    %max3A_307 = arith.maximumf %max3A_306, %dot_general3A_303 : vector<256x256xf32>
    %min3A_308 = vector.broadcast %jit3A_305 : f32 to vector<256x256xf32>
    %min3A_309 = arith.minimumf %min3A_308, %max3A_307 : vector<256x256xf32>
    %exp3A_310 = math.exp %min3A_309 : vector<256x256xf32>
    %mul3A_311 = arith.mulf %exp3A_310, %get3A_39 : vector<256x256xf32>
    %dot_general3A_312 = arith.constant dense<0.000000e+00> : vector<256x65xf32>
    %dot_general3A_313 = tpu.matmul %mul3A_311, %slice3A_301, %dot_general3A_312 {dimension_numbers = #tpu.dot_dimension_numbers<[1], [0], [0], [1], [0, 0, 1, 1], [], []>, transpose_lhs_hint = false} : vector<256x256xf32>, vector<256x65xf32>, vector<256x65xf32> -> vector<256x65xf32>
    %slice3A_314 = vector.extract_strided_slice %dot_general3A_313 {offsets = [0, 0], sizes = [256, 64], strides = [1, 1]} : vector<256x65xf32> to vector<256x64xf32>
    %slice3A_315 = vector.extract_strided_slice %dot_general3A_313 {offsets = [0, 64], sizes = [256, 1], strides = [1, 1]} : vector<256x65xf32> to vector<256x1xf32>
    %div3A_316 = arith.constant 1.000000e+00 : f32
    %div3A_317 = vector.broadcast %div3A_316 : f32 to vector<256x1xf32>
    %div3A_318 = arith.divf %div3A_317, %slice3A_315 : vector<256x1xf32>
    %mul3A_319 = vector.broadcast %div3A_318 : vector<256x1xf32> to vector<256x64xf32>
    %mul3A_320 = arith.mulf %slice3A_314, %mul3A_319 : vector<256x64xf32>
    %slice3A_321 = vector.extract_strided_slice %reshape3A_7 {offsets = [2816, 0], sizes = [256, 64], strides = [1, 1]} : vector<4096x64xf32> to vector<256x64xf32>
    %add3A_322 = arith.addf %mul3A_320, %slice3A_321 : vector<256x64xf32>
    %slice3A_323 = vector.extract_strided_slice %add3A_15 {offsets = [3072, 0], sizes = [256, 64], strides = [1, 1]} : vector<4096x64xf32> to vector<256x64xf32>
    %slice3A_324 = vector.extract_strided_slice %add3A_25 {offsets = [3072, 0], sizes = [256, 64], strides = [1, 1]} : vector<4096x64xf32> to vector<256x64xf32>
    %slice3A_325 = vector.extract_strided_slice %mul3A_36 {offsets = [3072, 0], sizes = [256, 65], strides = [1, 1]} : vector<4096x65xf32> to vector<256x65xf32>
    %dot_general3A_326 = arith.constant dense<0.000000e+00> : vector<256x256xf32>
    %dot_general3A_327 = tpu.matmul %slice3A_323, %slice3A_324, %dot_general3A_326 {dimension_numbers = #tpu.dot_dimension_numbers<[1], [1], [0], [0], [0, 0, 1, 0], [], []>, transpose_lhs_hint = false} : vector<256x64xf32>, vector<256x64xf32>, vector<256x256xf32> -> vector<256x256xf32>
    %jit3A_328 = arith.constant -5.000000e+01 : f32
    %jit3A_329 = arith.constant 5.000000e+01 : f32
    %max3A_330 = vector.broadcast %jit3A_328 : f32 to vector<256x256xf32>
    %max3A_331 = arith.maximumf %max3A_330, %dot_general3A_327 : vector<256x256xf32>
    %min3A_332 = vector.broadcast %jit3A_329 : f32 to vector<256x256xf32>
    %min3A_333 = arith.minimumf %min3A_332, %max3A_331 : vector<256x256xf32>
    %exp3A_334 = math.exp %min3A_333 : vector<256x256xf32>
    %mul3A_335 = arith.mulf %exp3A_334, %get3A_39 : vector<256x256xf32>
    %dot_general3A_336 = arith.constant dense<0.000000e+00> : vector<256x65xf32>
    %dot_general3A_337 = tpu.matmul %mul3A_335, %slice3A_325, %dot_general3A_336 {dimension_numbers = #tpu.dot_dimension_numbers<[1], [0], [0], [1], [0, 0, 1, 1], [], []>, transpose_lhs_hint = false} : vector<256x256xf32>, vector<256x65xf32>, vector<256x65xf32> -> vector<256x65xf32>
    %slice3A_338 = vector.extract_strided_slice %dot_general3A_337 {offsets = [0, 0], sizes = [256, 64], strides = [1, 1]} : vector<256x65xf32> to vector<256x64xf32>
    %slice3A_339 = vector.extract_strided_slice %dot_general3A_337 {offsets = [0, 64], sizes = [256, 1], strides = [1, 1]} : vector<256x65xf32> to vector<256x1xf32>
    %div3A_340 = arith.constant 1.000000e+00 : f32
    %div3A_341 = vector.broadcast %div3A_340 : f32 to vector<256x1xf32>
    %div3A_342 = arith.divf %div3A_341, %slice3A_339 : vector<256x1xf32>
    %mul3A_343 = vector.broadcast %div3A_342 : vector<256x1xf32> to vector<256x64xf32>
    %mul3A_344 = arith.mulf %slice3A_338, %mul3A_343 : vector<256x64xf32>
    %slice3A_345 = vector.extract_strided_slice %reshape3A_7 {offsets = [3072, 0], sizes = [256, 64], strides = [1, 1]} : vector<4096x64xf32> to vector<256x64xf32>
    %add3A_346 = arith.addf %mul3A_344, %slice3A_345 : vector<256x64xf32>
    %slice3A_347 = vector.extract_strided_slice %add3A_15 {offsets = [3328, 0], sizes = [256, 64], strides = [1, 1]} : vector<4096x64xf32> to vector<256x64xf32>
    %slice3A_348 = vector.extract_strided_slice %add3A_25 {offsets = [3328, 0], sizes = [256, 64], strides = [1, 1]} : vector<4096x64xf32> to vector<256x64xf32>
    %slice3A_349 = vector.extract_strided_slice %mul3A_36 {offsets = [3328, 0], sizes = [256, 65], strides = [1, 1]} : vector<4096x65xf32> to vector<256x65xf32>
    %dot_general3A_350 = arith.constant dense<0.000000e+00> : vector<256x256xf32>
    %dot_general3A_351 = tpu.matmul %slice3A_347, %slice3A_348, %dot_general3A_350 {dimension_numbers = #tpu.dot_dimension_numbers<[1], [1], [0], [0], [0, 0, 1, 0], [], []>, transpose_lhs_hint = false} : vector<256x64xf32>, vector<256x64xf32>, vector<256x256xf32> -> vector<256x256xf32>
    %jit3A_352 = arith.constant -5.000000e+01 : f32
    %jit3A_353 = arith.constant 5.000000e+01 : f32
    %max3A_354 = vector.broadcast %jit3A_352 : f32 to vector<256x256xf32>
    %max3A_355 = arith.maximumf %max3A_354, %dot_general3A_351 : vector<256x256xf32>
    %min3A_356 = vector.broadcast %jit3A_353 : f32 to vector<256x256xf32>
    %min3A_357 = arith.minimumf %min3A_356, %max3A_355 : vector<256x256xf32>
    %exp3A_358 = math.exp %min3A_357 : vector<256x256xf32>
    %mul3A_359 = arith.mulf %exp3A_358, %get3A_39 : vector<256x256xf32>
    %dot_general3A_360 = arith.constant dense<0.000000e+00> : vector<256x65xf32>
    %dot_general3A_361 = tpu.matmul %mul3A_359, %slice3A_349, %dot_general3A_360 {dimension_numbers = #tpu.dot_dimension_numbers<[1], [0], [0], [1], [0, 0, 1, 1], [], []>, transpose_lhs_hint = false} : vector<256x256xf32>, vector<256x65xf32>, vector<256x65xf32> -> vector<256x65xf32>
    %slice3A_362 = vector.extract_strided_slice %dot_general3A_361 {offsets = [0, 0], sizes = [256, 64], strides = [1, 1]} : vector<256x65xf32> to vector<256x64xf32>
    %slice3A_363 = vector.extract_strided_slice %dot_general3A_361 {offsets = [0, 64], sizes = [256, 1], strides = [1, 1]} : vector<256x65xf32> to vector<256x1xf32>
    %div3A_364 = arith.constant 1.000000e+00 : f32
    %div3A_365 = vector.broadcast %div3A_364 : f32 to vector<256x1xf32>
    %div3A_366 = arith.divf %div3A_365, %slice3A_363 : vector<256x1xf32>
    %mul3A_367 = vector.broadcast %div3A_366 : vector<256x1xf32> to vector<256x64xf32>
    %mul3A_368 = arith.mulf %slice3A_362, %mul3A_367 : vector<256x64xf32>
    %slice3A_369 = vector.extract_strided_slice %reshape3A_7 {offsets = [3328, 0], sizes = [256, 64], strides = [1, 1]} : vector<4096x64xf32> to vector<256x64xf32>
    %add3A_370 = arith.addf %mul3A_368, %slice3A_369 : vector<256x64xf32>
    %slice3A_371 = vector.extract_strided_slice %add3A_15 {offsets = [3584, 0], sizes = [256, 64], strides = [1, 1]} : vector<4096x64xf32> to vector<256x64xf32>
    %slice3A_372 = vector.extract_strided_slice %add3A_25 {offsets = [3584, 0], sizes = [256, 64], strides = [1, 1]} : vector<4096x64xf32> to vector<256x64xf32>
    %slice3A_373 = vector.extract_strided_slice %mul3A_36 {offsets = [3584, 0], sizes = [256, 65], strides = [1, 1]} : vector<4096x65xf32> to vector<256x65xf32>
    %dot_general3A_374 = arith.constant dense<0.000000e+00> : vector<256x256xf32>
    %dot_general3A_375 = tpu.matmul %slice3A_371, %slice3A_372, %dot_general3A_374 {dimension_numbers = #tpu.dot_dimension_numbers<[1], [1], [0], [0], [0, 0, 1, 0], [], []>, transpose_lhs_hint = false} : vector<256x64xf32>, vector<256x64xf32>, vector<256x256xf32> -> vector<256x256xf32>
    %jit3A_376 = arith.constant -5.000000e+01 : f32
    %jit3A_377 = arith.constant 5.000000e+01 : f32
    %max3A_378 = vector.broadcast %jit3A_376 : f32 to vector<256x256xf32>
    %max3A_379 = arith.maximumf %max3A_378, %dot_general3A_375 : vector<256x256xf32>
    %min3A_380 = vector.broadcast %jit3A_377 : f32 to vector<256x256xf32>
    %min3A_381 = arith.minimumf %min3A_380, %max3A_379 : vector<256x256xf32>
    %exp3A_382 = math.exp %min3A_381 : vector<256x256xf32>
    %mul3A_383 = arith.mulf %exp3A_382, %get3A_39 : vector<256x256xf32>
    %dot_general3A_384 = arith.constant dense<0.000000e+00> : vector<256x65xf32>
    %dot_general3A_385 = tpu.matmul %mul3A_383, %slice3A_373, %dot_general3A_384 {dimension_numbers = #tpu.dot_dimension_numbers<[1], [0], [0], [1], [0, 0, 1, 1], [], []>, transpose_lhs_hint = false} : vector<256x256xf32>, vector<256x65xf32>, vector<256x65xf32> -> vector<256x65xf32>
    %slice3A_386 = vector.extract_strided_slice %dot_general3A_385 {offsets = [0, 0], sizes = [256, 64], strides = [1, 1]} : vector<256x65xf32> to vector<256x64xf32>
    %slice3A_387 = vector.extract_strided_slice %dot_general3A_385 {offsets = [0, 64], sizes = [256, 1], strides = [1, 1]} : vector<256x65xf32> to vector<256x1xf32>
    %div3A_388 = arith.constant 1.000000e+00 : f32
    %div3A_389 = vector.broadcast %div3A_388 : f32 to vector<256x1xf32>
    %div3A_390 = arith.divf %div3A_389, %slice3A_387 : vector<256x1xf32>
    %mul3A_391 = vector.broadcast %div3A_390 : vector<256x1xf32> to vector<256x64xf32>
    %mul3A_392 = arith.mulf %slice3A_386, %mul3A_391 : vector<256x64xf32>
    %slice3A_393 = vector.extract_strided_slice %reshape3A_7 {offsets = [3584, 0], sizes = [256, 64], strides = [1, 1]} : vector<4096x64xf32> to vector<256x64xf32>
    %add3A_394 = arith.addf %mul3A_392, %slice3A_393 : vector<256x64xf32>
    %slice3A_395 = vector.extract_strided_slice %add3A_15 {offsets = [3840, 0], sizes = [256, 64], strides = [1, 1]} : vector<4096x64xf32> to vector<256x64xf32>
    %slice3A_396 = vector.extract_strided_slice %add3A_25 {offsets = [3840, 0], sizes = [256, 64], strides = [1, 1]} : vector<4096x64xf32> to vector<256x64xf32>
    %slice3A_397 = vector.extract_strided_slice %mul3A_36 {offsets = [3840, 0], sizes = [256, 65], strides = [1, 1]} : vector<4096x65xf32> to vector<256x65xf32>
    %dot_general3A_398 = arith.constant dense<0.000000e+00> : vector<256x256xf32>
    %dot_general3A_399 = tpu.matmul %slice3A_395, %slice3A_396, %dot_general3A_398 {dimension_numbers = #tpu.dot_dimension_numbers<[1], [1], [0], [0], [0, 0, 1, 0], [], []>, transpose_lhs_hint = false} : vector<256x64xf32>, vector<256x64xf32>, vector<256x256xf32> -> vector<256x256xf32>
    %jit3A_400 = arith.constant -5.000000e+01 : f32
    %jit3A_401 = arith.constant 5.000000e+01 : f32
    %max3A_402 = vector.broadcast %jit3A_400 : f32 to vector<256x256xf32>
    %max3A_403 = arith.maximumf %max3A_402, %dot_general3A_399 : vector<256x256xf32>
    %min3A_404 = vector.broadcast %jit3A_401 : f32 to vector<256x256xf32>
    %min3A_405 = arith.minimumf %min3A_404, %max3A_403 : vector<256x256xf32>
    %exp3A_406 = math.exp %min3A_405 : vector<256x256xf32>
    %mul3A_407 = arith.mulf %exp3A_406, %get3A_39 : vector<256x256xf32>
    %dot_general3A_408 = arith.constant dense<0.000000e+00> : vector<256x65xf32>
    %dot_general3A_409 = tpu.matmul %mul3A_407, %slice3A_397, %dot_general3A_408 {dimension_numbers = #tpu.dot_dimension_numbers<[1], [0], [0], [1], [0, 0, 1, 1], [], []>, transpose_lhs_hint = false} : vector<256x256xf32>, vector<256x65xf32>, vector<256x65xf32> -> vector<256x65xf32>
    %slice3A_410 = vector.extract_strided_slice %dot_general3A_409 {offsets = [0, 0], sizes = [256, 64], strides = [1, 1]} : vector<256x65xf32> to vector<256x64xf32>
    %slice3A_411 = vector.extract_strided_slice %dot_general3A_409 {offsets = [0, 64], sizes = [256, 1], strides = [1, 1]} : vector<256x65xf32> to vector<256x1xf32>
    %div3A_412 = arith.constant 1.000000e+00 : f32
    %div3A_413 = vector.broadcast %div3A_412 : f32 to vector<256x1xf32>
    %div3A_414 = arith.divf %div3A_413, %slice3A_411 : vector<256x1xf32>
    %mul3A_415 = vector.broadcast %div3A_414 : vector<256x1xf32> to vector<256x64xf32>
    %mul3A_416 = arith.mulf %slice3A_410, %mul3A_415 : vector<256x64xf32>
    %slice3A_417 = vector.extract_strided_slice %reshape3A_7 {offsets = [3840, 0], sizes = [256, 64], strides = [1, 1]} : vector<4096x64xf32> to vector<256x64xf32>
    %add3A_418 = arith.addf %mul3A_416, %slice3A_417 : vector<256x64xf32>
    %concatenate3A_419 = tpu.concatenate %add3A_58, %add3A_82, %add3A_106, %add3A_130, %add3A_154, %add3A_178, %add3A_202, %add3A_226, %add3A_250, %add3A_274, %add3A_298, %add3A_322, %add3A_346, %add3A_370, %add3A_394, %add3A_418 in 0 : vector<256x64xf32>, vector<256x64xf32>, vector<256x64xf32>, vector<256x64xf32>, vector<256x64xf32>, vector<256x64xf32>, vector<256x64xf32>, vector<256x64xf32>, vector<256x64xf32>, vector<256x64xf32>, vector<256x64xf32>, vector<256x64xf32>, vector<256x64xf32>, vector<256x64xf32>, vector<256x64xf32>, vector<256x64xf32> -> vector<4096x64xf32>
    %get3A_420 = arith.constant 0 : index
    %get3A_421 = arith.constant 0 : index
    %get3A_422 = vector.load %arg3[%get3A_420, %get3A_421] : memref<64x64xf32, #tpu.memory_space<vmem>>, vector<64x64xf32>
    %get3A_423 = arith.constant 0 : index
    %get3A_424 = arith.constant 0 : index
    %get3A_425 = vector.load %arg12[%get3A_423, %get3A_424] : memref<64x16xf32, #tpu.memory_space<vmem>>, vector<64x16xf32>
    %dot_general3A_426 = arith.constant dense<0.000000e+00> : vector<64x16xf32>
    %dot_general3A_427 = tpu.matmul %get3A_422, %get3A_425, %dot_general3A_426 {dimension_numbers = #tpu.dot_dimension_numbers<[1], [0], [0], [1], [0, 0, 1, 1], [], []>, transpose_lhs_hint = false} : vector<64x64xf32>, vector<64x16xf32>, vector<64x16xf32> -> vector<64x16xf32>
    %broadcast_in_dim3A = vector.shape_cast %dot_general3A_427 : vector<64x16xf32> to vector<64x1x16xf32>
    %broadcast_in_dim3A_428 = vector.shape_cast %broadcast_in_dim3A : vector<64x1x16xf32> to vector<64x1x16xf32>
    %broadcast_in_dim3A_429 = vector.broadcast %broadcast_in_dim3A_428 : vector<64x1x16xf32> to vector<64x64x16xf32>
    %reshape3A_430 = vector.shape_cast %broadcast_in_dim3A_429 : vector<64x64x16xf32> to vector<4096x16xf32>
    %get3A_431 = arith.constant 0 : index
    %get3A_432 = arith.constant 0 : index
    %get3A_433 = vector.load %arg11[%get3A_431, %get3A_432] : memref<64x16xf32, #tpu.memory_space<vmem>>, vector<64x16xf32>
    %dot_general3A_434 = arith.constant dense<0.000000e+00> : vector<4096x16xf32>
    %dot_general3A_435 = tpu.matmul %concatenate3A_419, %get3A_433, %dot_general3A_434 {dimension_numbers = #tpu.dot_dimension_numbers<[1], [0], [0], [1], [0, 0, 1, 1], [], []>, transpose_lhs_hint = false} : vector<4096x64xf32>, vector<64x16xf32>, vector<4096x16xf32> -> vector<4096x16xf32>
    %mul3A_436 = vector.broadcast %transpose3A : vector<4096x1xf32> to vector<4096x16xf32>
    %mul3A_437 = arith.mulf %mul3A_436, %reshape3A_430 : vector<4096x16xf32>
    %add3A_438 = arith.addf %dot_general3A_435, %mul3A_437 : vector<4096x16xf32>
    %get3A_439 = arith.constant 0 : index
    %get3A_440 = arith.constant 0 : index
    %get3A_441 = vector.load %arg13[%get3A_439, %get3A_440] : memref<1x16xf32, #tpu.memory_space<vmem>>, vector<1x16xf32>
    %add3A_442 = vector.broadcast %get3A_441 : vector<1x16xf32> to vector<4096x16xf32>
    %add3A_443 = arith.addf %add3A_438, %add3A_442 : vector<4096x16xf32>
    %max3A_444 = arith.constant 0.000000e+00 : f32
    %max3A_445 = vector.broadcast %max3A_444 : f32 to vector<4096x16xf32>
    %max3A_446 = arith.maximumf %add3A_443, %max3A_445 : vector<4096x16xf32>
    %get3A_447 = arith.constant 0 : index
    %get3A_448 = arith.constant 0 : index
    %get3A_449 = vector.load %arg14[%get3A_447, %get3A_448] : memref<16x1xf32, #tpu.memory_space<vmem>>, vector<16x1xf32>
    %dot_general3A_450 = arith.constant dense<0.000000e+00> : vector<4096x1xf32>
    %dot_general3A_451 = tpu.matmul %max3A_446, %get3A_449, %dot_general3A_450 {dimension_numbers = #tpu.dot_dimension_numbers<[1], [0], [0], [1], [0, 0, 1, 1], [], []>, transpose_lhs_hint = false} : vector<4096x16xf32>, vector<16x1xf32>, vector<4096x1xf32> -> vector<4096x1xf32>
    %get3A_452 = arith.constant 0 : index
    %get3A_453 = arith.constant 0 : index
    %get3A_454 = vector.load %arg15[%get3A_452, %get3A_453] : memref<1x1xf32, #tpu.memory_space<vmem>>, vector<1x1xf32>
    %add3A_455 = vector.broadcast %get3A_454 : vector<1x1xf32> to vector<4096x1xf32>
    %add3A_456 = arith.addf %dot_general3A_451, %add3A_455 : vector<4096x1xf32>
    %jit3A_457 = arith.constant -5.000000e+01 : f32
    %jit3A_458 = arith.constant 5.000000e+01 : f32
    %max3A_459 = vector.broadcast %jit3A_457 : f32 to vector<4096x1xf32>
    %max3A_460 = arith.maximumf %max3A_459, %add3A_456 : vector<4096x1xf32>
    %min3A_461 = vector.broadcast %jit3A_458 : f32 to vector<4096x1xf32>
    %min3A_462 = arith.minimumf %min3A_461, %max3A_460 : vector<4096x1xf32>
    %exp3A_463 = math.exp %min3A_462 : vector<4096x1xf32>
    %mul3A_464 = arith.mulf %exp3A_463, %transpose3A : vector<4096x1xf32>
    %mul3A_465 = vector.broadcast %mul3A_464 : vector<4096x1xf32> to vector<4096x64xf32>
    %mul3A_466 = arith.mulf %mul3A_465, %concatenate3A_419 : vector<4096x64xf32>
    %reshape3A_467 = vector.shape_cast %mul3A_466 : vector<4096x64xf32> to vector<64x64x64xf32>
    %reduce_sum3A = arith.constant dense<0.000000e+00> : vector<64x64xf32>
    %reduce_sum3A_468 = vector.multi_reduction <add>, %reshape3A_467, %reduce_sum3A [1] : vector<64x64x64xf32> to vector<64x64xf32>
    %reshape3A_469 = vector.shape_cast %mul3A_464 : vector<4096x1xf32> to vector<64x64x1xf32>
    %reduce_sum3A_470 = arith.constant dense<0.000000e+00> : vector<64x1xf32>
    %reduce_sum3A_471 = vector.multi_reduction <add>, %reshape3A_469, %reduce_sum3A_470 [1] : vector<64x64x1xf32> to vector<64x1xf32>
    %div3A_472 = vector.broadcast %reduce_sum3A_471 : vector<64x1xf32> to vector<64x64xf32>
    %div3A_473 = arith.divf %reduce_sum3A_468, %div3A_472 : vector<64x64xf32>
    %mul3A_474 = arith.constant 2.500000e-01 : f32
    %mul3A_475 = vector.broadcast %mul3A_474 : f32 to vector<64x64xf32>
    %mul3A_476 = arith.mulf %mul3A_475, %div3A_473 : vector<64x64xf32>
    %get3A_477 = arith.constant 0 : index
    %get3A_478 = arith.constant 0 : index
    %get3A_479 = vector.load %arg4[%get3A_477, %get3A_478] : memref<64x64xf32, #tpu.memory_space<vmem>>, vector<64x64xf32>
    %mul3A_480 = arith.constant 5.000000e-01 : f32
    %mul3A_481 = vector.broadcast %mul3A_480 : f32 to vector<64x64xf32>
    %mul3A_482 = arith.mulf %mul3A_481, %get3A_479 : vector<64x64xf32>
    %add3A_483 = arith.addf %mul3A_476, %mul3A_482 : vector<64x64xf32>
    %swap3A = arith.constant 0 : index
    %swap3A_484 = arith.constant 0 : index
    %swap3A_485 = vector.load %arg17[%swap3A, %swap3A_484] : memref<64x64xf32, #tpu.memory_space<vmem>>, vector<64x64xf32>
    tpu.vector_store %arg17[%swap3A, %swap3A_484], %add3A_483 {strides = array<i32>} : memref<64x64xf32, #tpu.memory_space<vmem>>, vector<64x64xf32>,
    return
  }
  func.func @transform_0(%arg0: i32) -> (i32, i32) {
    %c0_i32 = arith.constant 0 : i32
    %c0_i32_0 = arith.constant 0 : i32
    return %arg0, %c0_i32 : i32, i32
  }
  func.func @transform_1(%arg0: i32) -> (i32, i32) {
    %c0_i32 = arith.constant 0 : i32
    %c0_i32_0 = arith.constant 0 : i32
    return %c0_i32, %arg0 : i32, i32
  }
  func.func @transform_2(%arg0: i32) -> (i32, i32) {
    %c0_i32 = arith.constant 0 : i32
    %c0_i32_0 = arith.constant 0 : i32
    return %arg0, %c0_i32 : i32, i32
  }
  func.func @transform_3(%arg0: i32) -> (i32, i32) {
    %c0_i32 = arith.constant 0 : i32
    %c0_i32_0 = arith.constant 0 : i32
    return %arg0, %c0_i32 : i32, i32
  }
  func.func @transform_4(%arg0: i32) -> (i32, i32) {
    %c0_i32 = arith.constant 0 : i32
    %c0_i32_0 = arith.constant 0 : i32
    %c0_i32_1 = arith.constant 0 : i32
    return %c0_i32, %c0_i32_0 : i32, i32
  }
  func.func @transform_5(%arg0: i32) -> (i32, i32) {
    %c0_i32 = arith.constant 0 : i32
    %c0_i32_0 = arith.constant 0 : i32
    %c0_i32_1 = arith.constant 0 : i32
    return %c0_i32, %c0_i32_0 : i32, i32
  }
  func.func @transform_6(%arg0: i32) -> (i32, i32) {
    %c0_i32 = arith.constant 0 : i32
    %c0_i32_0 = arith.constant 0 : i32
    %c0_i32_1 = arith.constant 0 : i32
    return %c0_i32, %c0_i32_0 : i32, i32
  }
  func.func @transform_7(%arg0: i32) -> (i32, i32) {
    %c0_i32 = arith.constant 0 : i32
    %c0_i32_0 = arith.constant 0 : i32
    %c0_i32_1 = arith.constant 0 : i32
    return %c0_i32, %c0_i32_0 : i32, i32
  }
  func.func @transform_8(%arg0: i32) -> (i32, i32) {
    %c0_i32 = arith.constant 0 : i32
    %c0_i32_0 = arith.constant 0 : i32
    %c0_i32_1 = arith.constant 0 : i32
    return %c0_i32, %c0_i32_0 : i32, i32
  }
  func.func @transform_9(%arg0: i32) -> (i32, i32) {
    %c0_i32 = arith.constant 0 : i32
    %c0_i32_0 = arith.constant 0 : i32
    %c0_i32_1 = arith.constant 0 : i32
    return %c0_i32, %c0_i32_0 : i32, i32
  }
  func.func @transform_10(%arg0: i32) -> (i32, i32) {
    %c0_i32 = arith.constant 0 : i32
    %c0_i32_0 = arith.constant 0 : i32
    %c0_i32_1 = arith.constant 0 : i32
    return %c0_i32, %c0_i32_0 : i32, i32
  }
  func.func @transform_11(%arg0: i32) -> (i32, i32) {
    %c0_i32 = arith.constant 0 : i32
    %c0_i32_0 = arith.constant 0 : i32
    %c0_i32_1 = arith.constant 0 : i32
    return %c0_i32, %c0_i32_0 : i32, i32
  }
  func.func @transform_12(%arg0: i32) -> (i32, i32) {
    %c0_i32 = arith.constant 0 : i32
    %c0_i32_0 = arith.constant 0 : i32
    %c0_i32_1 = arith.constant 0 : i32
    return %c0_i32, %c0_i32_0 : i32, i32
  }
  func.func @transform_13(%arg0: i32) -> (i32, i32) {
    %c0_i32 = arith.constant 0 : i32
    %c0_i32_0 = arith.constant 0 : i32
    %c0_i32_1 = arith.constant 0 : i32
    return %c0_i32, %c0_i32_0 : i32, i32
  }
  func.func @transform_14(%arg0: i32) -> (i32, i32) {
    %c0_i32 = arith.constant 0 : i32
    %c0_i32_0 = arith.constant 0 : i32
    %c0_i32_1 = arith.constant 0 : i32
    return %c0_i32, %c0_i32_0 : i32, i32
  }
  func.func @transform_15(%arg0: i32) -> (i32, i32) {
    %c0_i32 = arith.constant 0 : i32
    %c0_i32_0 = arith.constant 0 : i32
    %c0_i32_1 = arith.constant 0 : i32
    return %c0_i32, %c0_i32_0 : i32, i32
  }
  func.func @transform_16(%arg0: i32) -> (i32, i32) {
    %c0_i32 = arith.constant 0 : i32
    %c0_i32_0 = arith.constant 0 : i32
    return %arg0, %c0_i32 : i32, i32
  }
}

</mosaic_0001>

<sc_bundles>
// kernel: kernel.4.cloned.1.call-start
scs
__scs_entry_jumppad:
0x0: {  	(pc) =	sbr.rel $0x88, $3  }
0x1: {  	(tag) =	ssettag $0x0;
	lr =	simm.s32 $0x1  }
0x2: {  	[smem:$0x3F90] =	sst lr;
	_ =	strace $0xD0000000  }
0x3: {  	_ = 	snop  }
0x4: {  	_ = 	snop  }
0x5: {  	_ = 	snop  }
0x6: {  	_ = 	snop  }
0x7: {  	_ = 	snop  }
__scs_overlays_trampoline_lowered:
0x8: {  	[smem:$0x3F9F] =	sst s0  }
0x9: {  	[smem:$0x3FA0] =	sst s1  }
0xa: {  	[smem:$0x3FA1] =	sst s2  }
0xb: {  	[smem:$0x3FA2] =	sst s3  }
0xc: {  	[smem:$0x3FA3] =	sst s4  }
0xd: {  	[smem:$0x3FA4] =	sst s5  }
0xe: {  	[smem:$0x3FA5] =	sst s6  }
0xf: {  	[smem:$0x3FA6] =	sst s7  }
0x10: {  	[smem:$0x3FA7] =	sst s8  }
0x11: {  	[smem:$0x3FA8] =	sst s9;
	s0 =	simm.s32 @!p0 $0x0  }
0x12: {  	s1 =	sld [smem:$0x3F8E];
	s0 =	simm.s32 @p0 $0x1  }
0x13: {  	[smem:$0x3FA9] =	sst s0;
	s0 =	simm.s32 @!p1 $0x0  }
0x14: {  	s2 =	sld [smem:$0x3F8D];
	s0 =	simm.s32 @p1 $0x1  }
0x15: {  	[smem:$0x3FAA] =	sst s0;
	s0 =	simm.s32 @!p2 $0x0  }
0x16: {  	s3 =	sld [smem:$0x3FDB];
	s0 =	simm.s32 @p2 $0x1  }
0x17: {  	s4 =	simm.s32 $0x1BF5;
	[smem:$0x3FAC] =	sst s0  }
0x18: {  	s0 =	sld [smem:$0x3F8F];
	_ =	swait.ge [sflag:s4], $0x0  }
0x19: {  	s7 =	sld [smem:$0x3F90]  }
0x1a: {  	s8 =	sadd.s32 $0xFFFFE003, lr  }
0x1b: {  	s9 =	sadd.s32 $0xFFFFFEF7, lr;
	s5 =	simm.s32 $0xFFFFFFFF;
	p2 =	slt.u32 s8, $0xFFFFF086  }
0x1c: {  	p1 =	slt.u32 s9, $0xF7A;
	s5 =	simm.s32 @!p2 $0x0  }
0x1d: {  	s5 =	simm.s32 @p1 $0x1;
	p0 =	seq.s32 s7, s2  }
0x1e: {  	s7 =	smul.u32 @!p0 $0xF7A, s2;
	p2 =	seq.s32 @!p0 s5, $0x0  }
0x1f: {  	s9 =	smul.u32 $0xF7A, s1;
	s8 =	simm.s32 @!p0 $0x1BF5;
	p2 =	por !p2, p0  }
0x20: {  	[sflag:s8] =	ssyncset.s32 @!p0 $0xFFFFF086;
	s6 =	sadd.s32 @!p0 s3, s7;
	s7 =	simm.s32 @!p0 $0x108  }
0x21: {  	s3 =	sadd.s32 s3, s9;
	s6 =	sadd.s32 @!p0 $0x88, s6;
	s7 =	simm.s32 @p2 $0x1082  }
0x22: {  	[simem:s7], [sflag:s8] =	dma.local @!p0 [hbm:s6], $0xF7A  }
0x23: {  	s9 =	sor.u32 $0xD0000000, s2;
	s6 =	simm.s32 $0x108;
	_ =	swait.ge @!p0 [sflag:s8], $0x0  }
0x24: {  	s3 =	sadd.s32 $0x88, s3;
	s6 =	simm.s32 @!p1 $0x1082;
	[sflag:s4] =	ssyncset.s32 $0xFFFFF086  }
0x25: {  	[simem:s6], [sflag:s4] =	dma.local [hbm:s3], $0xF7A  }
0x26: {  	[smem:$0x3F90] =	sst s1;
	(tag) =	ssettag s2;
	_ =	strace s9  }
0x27: {  	s1 =	sld [smem:$0x3FA0]  }
0x28: {  	s2 =	sld [smem:$0x3FA1]  }
0x29: {  	s4 =	sld [smem:$0x3FA3]  }
0x2a: {  	p0 =	seq.s32 s5, $0x0;
	s5 =	sld [smem:$0x3FA4]  }
0x2b: {  	s6 =	sld [smem:$0x3FA5]  }
0x2c: {  	s7 =	sld [smem:$0x3FA6]  }
0x2d: {  	s3 =	simm.s32 $0x108;
	s8 =	sld [smem:$0x3FA7]  }
0x2e: {  	s3 =	simm.s32 @!p0 $0x1082;
	s9 =	sld [smem:$0x3FA8]  }
0x2f: {  	lr =	sadd.s32 s0, s3;
	s0 =	sld [smem:$0x3F9F]  }
0x30: {  	s3 =	sld [smem:$0x3FA2]  }
0x31: {  	[smem:$0x3FAB] =	sst s10  }
0x32: {  	s10 =	sld [smem:$0x3FA9];
	_ =	sdelay $0x3  }
0x33: {  	p0 =	seq.s32 s10, $0x1;
	s10 =	sld [smem:$0x3FAB];
	_ =	sdelay $0x3  }
0x34: {  	[smem:$0x3FAB] =	sst s10  }
0x35: {  	s10 =	sld [smem:$0x3FAA];
	_ =	sdelay $0x3  }
0x36: {  	p1 =	seq.s32 s10, $0x1;
	s10 =	sld [smem:$0x3FAB];
	_ =	sdelay $0x3  }
0x37: {  	[smem:$0x3FAB] =	sst s10  }
0x38: {  	s10 =	sld [smem:$0x3FAC]  }
0x39: {  	_ = 	snop;
	(pc) =	sbr.ind lr, $3  }
0x3a: {  	_ = 	snop  }
0x3b: {  	_ = 	snop  }
0x3c: {  	p2 =	seq.s32 s10, $0x1;
	s10 =	sld [smem:$0x3FAB]  }
0x3d: {  	_ =	shalt  }
0x3e: {  	_ =	shalt  }
0x3f: {  	_ =	shalt  }
0x40: {  	_ =	shalt  }
0x41: {  	_ =	shalt  }
0x42: {  	_ =	shalt  }
0x43: {  	_ =	shalt  }
0x44: {  	_ =	shalt  }
0x45: {  	_ =	shalt  }
0x46: {  	_ =	shalt  }
0x47: {  	_ =	shalt  }
0x48: {  	_ =	shalt  }
0x49: {  	_ =	shalt  }
0x4a: {  	_ =	shalt  }
0x4b: {  	_ =	shalt  }
0x4c: {  	_ =	shalt  }
0x4d: {  	_ =	shalt  }
0x4e: {  	_ =	shalt  }
0x4f: {  	_ =	shalt  }
0x50: {  	_ =	shalt  }
0x51: {  	_ =	shalt  }
0x52: {  	_ =	shalt  }
0x53: {  	_ =	shalt  }
0x54: {  	_ =	shalt  }
0x55: {  	_ =	shalt  }
0x56: {  	_ =	shalt  }
0x57: {  	_ =	shalt  }
0x58: {  	_ =	shalt  }
0x59: {  	_ =	shalt  }
0x5a: {  	_ =	shalt  }
0x5b: {  	_ =	shalt  }
0x5c: {  	_ =	shalt  }
0x5d: {  	_ =	shalt  }
0x5e: {  	_ =	shalt  }
0x5f: {  	_ =	shalt  }
0x60: {  	_ =	shalt  }
0x61: {  	_ =	shalt  }
0x62: {  	_ =	shalt  }
0x63: {  	_ =	shalt  }
0x64: {  	_ =	shalt  }
0x65: {  	_ =	shalt  }
0x66: {  	_ =	shalt  }
0x67: {  	_ =	shalt  }
0x68: {  	_ =	shalt  }
0x69: {  	_ =	shalt  }
0x6a: {  	_ =	shalt  }
0x6b: {  	_ =	shalt  }
0x6c: {  	_ =	shalt  }
0x6d: {  	_ =	shalt  }
0x6e: {  	_ =	shalt  }
0x6f: {  	_ =	shalt  }
0x70: {  	_ =	shalt  }
0x71: {  	_ =	shalt  }
0x72: {  	_ =	shalt  }
0x73: {  	_ =	shalt  }
0x74: {  	_ =	shalt  }
0x75: {  	_ =	shalt  }
0x76: {  	_ =	shalt  }
0x77: {  	_ =	shalt  }
0x78: {  	_ =	shalt  }
0x79: {  	_ =	shalt  }
0x7a: {  	_ =	shalt  }
0x7b: {  	_ =	shalt  }
0x7c: {  	_ =	shalt  }
0x7d: {  	_ =	shalt  }
0x7e: {  	_ =	shalt  }
0x7f: {  	_ =	shalt  }
0x80: {  	_ =	shalt  }
0x81: {  	_ =	shalt  }
0x82: {  	_ =	shalt  }
0x83: {  	_ =	shalt  }
0x84: {  	_ =	shalt  }
0x85: {  	_ =	shalt  }
0x86: {  	_ =	shalt  }
0x87: {  	_ =	shalt  }
.Lfunc_end0:
.L_simem_size_0:
called_computation_lowered:
.L_overlay_start_0:
0x88: {  	s2 =	sld [smem:$0x3FD9]  }
0x89: {  	s3 =	sld [smem:$0x3FFE];
	_ =	sdelay $0x1  }
0x8a: {  	s1 =	srdreg.scid  }
0x8b: {  	s0 =	sand.u32 $0x1, s1  }
0x8c: {  	s17 =	sshll.u32 s0, $0xA;
	s2 =	sadd.s32 s3, s2  }
0x8d: {  	s2 =	sadd.s32 s2, s17  }
0x8e: {  	[smem:$0x3FB7] =	sst s2  }
0x8f: {  	_ = 	snop  }
0x90: {  	s2 =	sld [smem:$0x3FC9]  }
0x91: {  	s18 =	sld [smem:$0x3FC8]  }
0x92: {  	s4 =	sld [smem:$0x3FD0];
	(tm) =	ssettm $0x1  }
0x93: {  	s5 =	sld [smem:$0x3FFB];
	_ =	sdelay $0x3  }
0x94: {  	_ =	strace s5  }
0x95: {  	s5 =	sld [smem:$0x3FFC];
	_ =	sdelay $0x3  }
0x96: {  	_ =	strace s5  }
0x97: {  	s5 =	sld [smem:$0x3FFD];
	_ =	sdelay $0x3  }
0x98: {  	_ =	strace s5  }
0x99: {  	_ =	strace $0x8FFFFFFF  }
0x9a: {  	s19 =	sld [smem:$0x3FDB];
	_ =	sdelay $0x1  }
0x9b: {  	s6 =	simm.s32 $_scs_section_size  }
0x9c: {  	s7 =	simm.s32 $_size__tile_overlayer_lowered;
	s8 =	simm.s32 $_tile_overlayer_lowered  }
0x9d: {  	s22 =	simm.s32 $0x1BFF;
	s21 =	sshll.u32 s8, $0x1;
	s5 =	sadd.s32 s6, s19  }
0x9e: {  	s9 =	simm.s32 $0x0;
	s20 =	sshll.u32 s7, $0x1;
	s7 =	sadd.s32 s21, s5  }
0x9f: {  	[timem:s9], [sflag:s22] =	dma.local [hbm:s7], s20  }
0xa0: {  	_ =	swait.ge [sflag:s22], s20  }
0xa1: {  	s6 =	ssub.s32 $0x0, s20;
	[sflag:s22] =	ssyncset.done $0x0  }
0xa2: {  	[sflag:s22] =	ssyncadd.s32 s6;
	_ =	sdelay $0x1  }
0xa3: {  	s23 =	simm.s32 $0x1B8B  }
0xa4: {  	_ =	swait.ge [sflag:s23], $0x1  }
0xa5: {  	[sflag:s23] =	ssyncset.done $0x0  }
0xa6: {  	s25 =	simm.s32 $0x1B8E;
	s24 =	sld [smem:$0x3FFE];
	[sflag:s23] =	ssyncadd.s32 $0xFFFFFFFF  }
0xa7: {  	s26 =	simm.s32 $execute0_lowered;
	[smem:$0x3FD2] =	sst s25  }
0xa8: {  	s7 =	sshll.u32 s26, $0x1;
	_ =	strace $0x80000046;
	[dreg:$0x1] =	wrdreg $0xFFFFFFFF  }
0xa9: {  	s28 =	simm.s32 $_size_execute0_lowered;
	s5 =	sadd.s32 s5, s7;
	[dreg:$0x0] =	wrdreg $0x0  }
0xaa: {  	s7 =	sshll.u32 s28, $0x1;
	[dreg:$0x2] =	wrdreg s5  }
0xab: {  	[dreg:$0x3] =	wrdreg s7  }
0xac: {  	[dreg:$0x4] =	wrdreg $0xC0  }
0xad: {  	_ =	task [dreg:s9], $0x5FFFF  }
0xae: {  	[dreg:$0x1] =	wrdreg $0xFFFFFFFF  }
0xaf: {  	[dreg:$0x0] =	wrdreg $0x60  }
0xb0: {  	[dreg:$0x2] =	wrdreg s4  }
0xb1: {  	[dreg:$0x3] =	wrdreg s18  }
0xb2: {  	[dreg:$0x4] =	wrdreg s2  }
0xb3: {  	[dreg:$0x5] =	wrdreg s24  }
0xb4: {  	[dreg:$0x6] =	wrdreg $0x9  }
0xb5: {  	_ =	task.clear_ibuf [dreg:s9], $0x7FFFF;
	_ =	strace $0x90000046  }
0xb6: {  	s29 =	simm.s32 $0x9;
	_ =	strace $0x80000048  }
0xb7: {  	_ =	swait.ge [sflag:s29], $0x1  }
0xb8: {  	[sflag:s29] =	ssyncadd.s32 $0xFFFFFFFF  }
0xb9: {  	_ =	strace $0x90000048  }
0xba: {  	_ =	sfence  }
0xbb: {  	s30 =	sld [smem:$0x0];
	_ =	sdelay $0x2  }
0xbc: {  	s31 =	sshll.u32 s1, $0xD;
	s1 =	sshrl.u32 s1, $0x2  }
0xbd: {  	s3 =	sand.u32 $0x4000, s31;
	s1 =	sadd.s32 s1, s30  }
0xbe: {  	s0 =	sor.u32 s3, s0;
	s1 =	sshll.u32 s1, $0x11  }
0xbf: {  	s0 =	sor.u32 s1, s0  }
0xc0: {  	s0 =	sadd.s32 $0x8F2B, s0  }
0xc1: {  	[sflag:s0] =	ssyncadd.remote.s32 $0x1  }
0xc2: {  	_ =	sfence.sel $0xFFFF  }
0xc3: {  	[dreg:$0x0] =	wrdreg $0xFFFFFFFF;
	(pc) =	sbr.abs _section_cstart, $3  }
0xc4: {  	[dreg:$0x1] =	wrdreg $0xFFFFFFFF  }
0xc5: {  	_ =	task.clear_ibuf [dreg:s9], $0x2FFFF;
	_ =	strace $0x9FFFFFFF  }
0xc6: {  	(tm) =	ssettm $0x7FFFFFFF  }
0xc7: {  	_ =	shalt  }
tec
execute0_lowered:
.L_overlay_start_1:
0x0: {  	(tag) =	ssettag $0x1  }
0x1: {  	s0 =	rddreg [dreg:$0x0]  }
0x2: {  	s1 =	rddreg [dreg:$0x1]  }
0x3: {  	s4 =	rddreg [dreg:$0x2]  }
0x4: {  	s5 =	rddreg [dreg:$0x3];
	s2 =	simm.s32 $0x0;
	s3 =	srdreg.scid  }
0x5: {  	s12 =	stileid.u32;
	s28 =	simm.s32 $0x8000;
	s29 =	simm.s32 $0x1  }
0x6: {  	s30 =	simm.s32 $0x2;
	s31 =	simm.s32 $0x3;
	[smem:$0x7FF] =	sst s2  }
0x7: {  	s6 =	sand.u32 $0x1, s3;
	s3 =	sadd.s32 $0x311600, s5;
	s8 =	sadd.s32 $0x24E000, s5  }
0x8: {  	s7 =	sshll.u32 s12, $0x1;
	s14 =	sadd.s32 $0x18AA00, s5;
	s10 =	sadd.s32 $0x3D4C00, s5  }
0x9: {  	s22 =	sshll.u32 s12, $0x11;
	_ =	strace $0x80000047;
	[dreg:$0x5] =	wrdreg s8  }
0xa: {  	s7 =	sor.u32 s6, s7;
	[dreg:$0x6] =	wrdreg s14;
	s9 =	ssub.s32 $0x2, s6  }
0xb: {  	s23 =	sshll.u32 s6, $0x10;
	s6 =	simm.s32 $0xA080;
	s15 =	sshll.u32 s7, $0xA  }
0xc: {  	s11 =	sshrl.u32 s9, $0x1;
	s16 =	sshll.u32 s7, $0x10;
	s7 =	sshll.u32 s7, $0x4  }
0xd: {  	s25 =	sor.u32 s23, s22;
	s5 =	sadd.s32 s15, s5;
	s9 =	ssub.s32 s9, s11  }
0xe: {  	s0 =	sadd.s32 s0, s15;
	s17 =	sadd.s32 s10, s16;
	s1 =	sadd.s32 s1, s7  }
0xf: {  	s19 =	sadd.s32 s4, s7;
	s26 =	sadd.s32 s25, s10;
	[dreg:$0x7] =	wrdreg s0  }
0x10: {  	s25 =	simm.s32 $0x6000;
	s4 =	simm.s32 $0x8;
	[dreg:$0x8] =	wrdreg s1  }
0x11: {  	s7 =	simm.s32 $0x0;
	s18 =	sadd.s32 $0xC000, s5;
	[dreg:$0xa] =	wrdreg s19  }
0x12: {  	s20 =	sadd.s32 $0x4000, s5;
	s21 =	smax.u32 s9, $0x1;
	s24 =	sadd.s32 $0xF000, s17  }
0x13: {  	s13 =	sadd.s32 $0xF400, s17;
	s14 =	sadd.s32 $0xF800, s17;
	s15 =	sadd.s32 $0xFC00, s17  }
0x14: {  	s16 =	sadd.s32 $0xC00, s26;
	s17 =	sadd.s32 $0x800, s26;
	[dreg:$0x9] =	wrdreg s18  }
0x15: {  	s1 =	sadd.s32 s22, s10;
	s22 =	simm.s32 $0x2000;
	[dreg:$0xb] =	wrdreg s20  }
0x16: {  	s0 =	simm.s32 $0x4;
	s5 =	simm.s32 $0xA000;
	[dreg:$0xc] =	wrdreg s21  }
0x17: {  	[dreg:$0xd] =	wrdreg s24;
	s18 =	sadd.s32 $0x400, s26;
	s19 =	sadd.s32 s23, s1  }
0x18: {  	s20 =	simm.s32 $0x9;
	s21 =	simm.s32 $0x80;
	s23 =	simm.s32 $0x4000  }
0x19: {  	s1 =	simm.s32 $0x5;
	s24 =	simm.s32 $0x6;
	s26 =	simm.s32 $0x7  }
.LBB2_1:
0x1a: {  	s8 =	rddreg [dreg:$0x7]  }
0x1b: {  	[tilespmem:s2], [sflag:$0x9] =	stream.linear.gather [hbm4b:s8+s2], $0x2000, $0x38;
	[tilespmem:$0xC080] =	vst v63  }
0x1c: {  	_ =	swait.ge [sflag:s20], $0x2000  }
0x1d: {  	[sflag:s20] =	ssyncset.done $0x0  }
0x1e: {  	[sflag:s20] =	ssyncadd.s32 $0xFFFFE000  }
0x1f: {  	[tilespmem:s22], [sflag:$0x1] =	stream.indirect.gather [hbm4b:s3+s21], $0x40, s2, s21, $0xb8;
	[tilespmem:$0xC080] =	vst v63  }
0x20: {  	_ = 	snop  }
0x21: {  	[tilespmem:s23], [sflag:$0x2] =	stream.indirect.gather [hbm4b:s3+s21], $0x40, s21, s21, $0xb8;
	[tilespmem:$0xC080] =	vst v63  }
0x22: {  	s12 =	simm.s32 $0x100  }
0x23: {  	[tilespmem:s25], [sflag:$0x3] =	stream.indirect.gather [hbm4b:s3+s21], $0x40, s12, s21, $0xb8;
	[tilespmem:$0xC080] =	vst v63  }
0x24: {  	s9 =	simm.s32 $0x180  }
0x25: {  	[tilespmem:s28], [sflag:$0x4] =	stream.indirect.gather [hbm4b:s3+s21], $0x40, s9, s21, $0xb8;
	[tilespmem:$0xC080] =	vst v63  }
0x26: {  	_ =	swait.ge [sflag:s29], $0x2000  }
0x27: {  	[sflag:s29] =	ssyncset.done $0x0  }
0x28: {  	s10 =	sadd.s32 $0x0, s19;
	[sflag:s29] =	ssyncadd.s32 $0xFFFFE000  }
0x29: {  	[hbm4b:s10+s2] =	stream.linear.scatter [tilespmem:s22], [sflag:$0x5], $0x2000, $0x38;
	[tilespmem:$0xC080] =	vst v63  }
0x2a: {  	_ =	swait.ge [sflag:s30], $0x2000  }
0x2b: {  	[sflag:s30] =	ssyncset.done $0x0  }
0x2c: {  	s11 =	sadd.s32 $0x0, s18;
	[sflag:s30] =	ssyncadd.s32 $0xFFFFE000  }
0x2d: {  	[hbm4b:s11+s2] =	stream.linear.scatter [tilespmem:s23], [sflag:$0x6], $0x2000, $0x38;
	[tilespmem:$0xC080] =	vst v63  }
0x2e: {  	_ =	swait.ge [sflag:s31], $0x2000  }
0x2f: {  	[sflag:s31] =	ssyncset.done $0x0  }
0x30: {  	s12 =	sadd.s32 $0x0, s17;
	[sflag:s31] =	ssyncadd.s32 $0xFFFFE000  }
0x31: {  	[hbm4b:s12+s2] =	stream.linear.scatter [tilespmem:s25], [sflag:$0x7], $0x2000, $0x38;
	[tilespmem:$0xC080] =	vst v63  }
0x32: {  	_ =	swait.ge [sflag:s0], $0x2000  }
0x33: {  	[sflag:s0] =	ssyncset.done $0x0  }
0x34: {  	s9 =	sadd.s32 $0x0, s16;
	[sflag:s0] =	ssyncadd.s32 $0xFFFFE000  }
0x35: {  	[hbm4b:s9+s2] =	stream.linear.scatter [tilespmem:s28], [sflag:$0x8], $0x2000, $0x38;
	[tilespmem:$0xC080] =	vst v63  }
0x36: {  	_ =	swait.ge [sflag:s1], $0x2000  }
0x37: {  	[sflag:s1] =	ssyncset.done $0x0  }
0x38: {  	s10 =	simm.s32 $0x200;
	[sflag:s1] =	ssyncadd.s32 $0xFFFFE000  }
0x39: {  	[tilespmem:s22], [sflag:$0x1] =	stream.indirect.gather [hbm4b:s3+s21], $0x40, s10, s21, $0xb8;
	[tilespmem:$0xC080] =	vst v63  }
0x3a: {  	_ =	swait.ge [sflag:s24], $0x2000  }
0x3b: {  	[sflag:s24] =	ssyncset.done $0x0  }
0x3c: {  	s11 =	simm.s32 $0x280;
	[sflag:s24] =	ssyncadd.s32 $0xFFFFE000  }
0x3d: {  	[tilespmem:s23], [sflag:$0x2] =	stream.indirect.gather [hbm4b:s3+s21], $0x40, s11, s21, $0xb8;
	[tilespmem:$0xC080] =	vst v63  }
0x3e: {  	_ =	swait.ge [sflag:s26], $0x2000  }
0x3f: {  	[sflag:s26] =	ssyncset.done $0x0  }
0x40: {  	s12 =	simm.s32 $0x300;
	[sflag:s26] =	ssyncadd.s32 $0xFFFFE000  }
0x41: {  	[tilespmem:s25], [sflag:$0x3] =	stream.indirect.gather [hbm4b:s3+s21], $0x40, s12, s21, $0xb8;
	[tilespmem:$0xC080] =	vst v63  }
0x42: {  	_ =	swait.ge [sflag:s4], $0x2000  }
0x43: {  	s8 =	simm.s32 $0x380;
	[sflag:s4] =	ssyncset.done $0x0  }
0x44: {  	s9 =	simm.s32 $0x1000;
	s10 =	simm.s32 $0x580;
	[sflag:s4] =	ssyncadd.s32 $0xFFFFE000  }
.LBB2_2:
0x45: {  	[tilespmem:s28], [sflag:$0x4] =	stream.indirect.gather [hbm4b:s3+s21], $0x40, s8, s21, $0xb8;
	[tilespmem:$0xC080] =	vst v63  }
0x46: {  	s11 =	smov.u32 s9;
	s8 =	smov.u32 s10  }
0x47: {  	p0 =	sne.s32 s9, $0xE000;
	s9 =	sadd.s32 $0x1000, s9;
	_ =	swait.ge [sflag:s29], $0x2000  }
0x48: {  	[sflag:s29] =	ssyncset.done $0x0  }
0x49: {  	s12 =	sadd.s32 s11, s19;
	[sflag:s29] =	ssyncadd.s32 $0xFFFFE000  }
0x4a: {  	[hbm4b:s12+s2] =	stream.linear.scatter [tilespmem:s22], [sflag:$0x5], $0x2000, $0x38;
	[tilespmem:$0xC080] =	vst v63  }
0x4b: {  	_ =	swait.ge [sflag:s30], $0x2000  }
0x4c: {  	[sflag:s30] =	ssyncset.done $0x0  }
0x4d: {  	s12 =	sadd.s32 s11, s18;
	[sflag:s30] =	ssyncadd.s32 $0xFFFFE000  }
0x4e: {  	[hbm4b:s12+s2] =	stream.linear.scatter [tilespmem:s23], [sflag:$0x6], $0x2000, $0x38;
	[tilespmem:$0xC080] =	vst v63  }
0x4f: {  	_ =	swait.ge [sflag:s31], $0x2000  }
0x50: {  	[sflag:s31] =	ssyncset.done $0x0  }
0x51: {  	s12 =	sadd.s32 s11, s17;
	[sflag:s31] =	ssyncadd.s32 $0xFFFFE000  }
0x52: {  	[hbm4b:s12+s2] =	stream.linear.scatter [tilespmem:s25], [sflag:$0x7], $0x2000, $0x38;
	[tilespmem:$0xC080] =	vst v63  }
0x53: {  	_ =	swait.ge [sflag:s0], $0x2000  }
0x54: {  	[sflag:s0] =	ssyncset.done $0x0  }
0x55: {  	s11 =	sadd.s32 s11, s16;
	[sflag:s0] =	ssyncadd.s32 $0xFFFFE000  }
0x56: {  	[hbm4b:s11+s2] =	stream.linear.scatter [tilespmem:s28], [sflag:$0x8], $0x2000, $0x38;
	[tilespmem:$0xC080] =	vst v63  }
0x57: {  	_ =	swait.ge [sflag:s1], $0x2000  }
0x58: {  	[sflag:s1] =	ssyncset.done $0x0  }
0x59: {  	s11 =	sadd.s32 $0xFFFFFE80, s10;
	[sflag:s1] =	ssyncadd.s32 $0xFFFFE000  }
0x5a: {  	[tilespmem:s22], [sflag:$0x1] =	stream.indirect.gather [hbm4b:s3+s21], $0x40, s11, s21, $0xb8;
	[tilespmem:$0xC080] =	vst v63  }
0x5b: {  	_ =	swait.ge [sflag:s24], $0x2000  }
0x5c: {  	[sflag:s24] =	ssyncset.done $0x0  }
0x5d: {  	s11 =	sadd.s32 $0xFFFFFF00, s10;
	[sflag:s24] =	ssyncadd.s32 $0xFFFFE000  }
0x5e: {  	[tilespmem:s23], [sflag:$0x2] =	stream.indirect.gather [hbm4b:s3+s21], $0x40, s11, s21, $0xb8;
	[tilespmem:$0xC080] =	vst v63  }
0x5f: {  	_ =	swait.ge [sflag:s26], $0x2000  }
0x60: {  	[sflag:s26] =	ssyncset.done $0x0  }
.Ltmp0:
0x61: {  	s11 =	sadd.s32 $0xFFFFFF80, s10;
	[sflag:s26] =	ssyncadd.s32 $0xFFFFE000;
	(pc) =	sbr.rel @p0 .LBB2_2-.Ltmp0, $4  }
0x62: {  	[tilespmem:s25], [sflag:$0x3] =	stream.indirect.gather [hbm4b:s3+s21], $0x40, s11, s21, $0xb8;
	[tilespmem:$0xC080] =	vst v63  }
0x63: {  	_ =	swait.ge [sflag:s4], $0x2000  }
0x64: {  	[sflag:s4] =	ssyncset.done $0x0  }
0x65: {  	s10 =	sadd.s32 $0x200, s10;
	[sflag:s4] =	ssyncadd.s32 $0xFFFFE000  }
0x66: {  	[tilespmem:s28], [sflag:$0x4] =	stream.indirect.gather [hbm4b:s3+s21], $0x40, s8, s21, $0xb8;
	[tilespmem:$0xC080] =	vst v63  }
0x67: {  	_ =	swait.ge [sflag:s29], $0x2000  }
0x68: {  	[sflag:s29] =	ssyncset.done $0x0  }
0x69: {  	s9 =	rddreg [dreg:$0xd];
	[sflag:s29] =	ssyncadd.s32 $0xFFFFE000  }
0x6a: {  	[hbm4b:s9+s2] =	stream.linear.scatter [tilespmem:s22], [sflag:$0x5], $0x2000, $0x38;
	[tilespmem:$0xC080] =	vst v63  }
0x6b: {  	_ =	swait.ge [sflag:s30], $0x2000  }
0x6c: {  	[sflag:s30] =	ssyncset.done $0x0  }
0x6d: {  	[sflag:s30] =	ssyncadd.s32 $0xFFFFE000  }
0x6e: {  	[hbm4b:s13+s2] =	stream.linear.scatter [tilespmem:s23], [sflag:$0x6], $0x2000, $0x38;
	[tilespmem:$0xC080] =	vst v63  }
0x6f: {  	_ =	swait.ge [sflag:s31], $0x2000  }
0x70: {  	[sflag:s31] =	ssyncset.done $0x0  }
0x71: {  	[sflag:s31] =	ssyncadd.s32 $0xFFFFE000  }
0x72: {  	[hbm4b:s14+s2] =	stream.linear.scatter [tilespmem:s25], [sflag:$0x7], $0x2000, $0x38;
	[tilespmem:$0xC080] =	vst v63  }
0x73: {  	_ =	swait.ge [sflag:s0], $0x2000  }
0x74: {  	[sflag:s0] =	ssyncset.done $0x0  }
0x75: {  	[sflag:s0] =	ssyncadd.s32 $0xFFFFE000  }
0x76: {  	[hbm4b:s15+s2] =	stream.linear.scatter [tilespmem:s28], [sflag:$0x8], $0x2000, $0x38;
	[tilespmem:$0xC080] =	vst v63  }
0x77: {  	_ =	swait.ge [sflag:s1], $0x2000  }
0x78: {  	[sflag:s1] =	ssyncset.done $0x0  }
0x79: {  	[sflag:s1] =	ssyncadd.s32 $0xFFFFE000  }
0x7a: {  	_ =	swait.ge [sflag:s24], $0x2000  }
0x7b: {  	[sflag:s24] =	ssyncset.done $0x0  }
0x7c: {  	[sflag:s24] =	ssyncadd.s32 $0xFFFFE000  }
0x7d: {  	_ =	swait.ge [sflag:s26], $0x2000  }
0x7e: {  	[sflag:s26] =	ssyncset.done $0x0  }
0x7f: {  	[sflag:s26] =	ssyncadd.s32 $0xFFFFE000  }
0x80: {  	_ =	swait.ge [sflag:s4], $0x2000  }
0x81: {  	[sflag:s4] =	ssyncset.done $0x0  }
0x82: {  	s10 =	rddreg [dreg:$0x8];
	[sflag:s4] =	ssyncadd.s32 $0xFFFFE000  }
0x83: {  	[tilespmem:s5], [sflag:$0x9] =	stream.linear.gather [hbm4b:s10+s2], $0x80, $0x38;
	[tilespmem:$0xC080] =	vst v63  }
0x84: {  	_ =	swait.ge [sflag:s20], $0x80  }
0x85: {  	[sflag:s20] =	ssyncset.done $0x0  }
0x86: {  	s11 =	rddreg [dreg:$0x5];
	[sflag:s20] =	ssyncadd.s32 $0xFFFFFF80  }
0x87: {  	[tilespmem:s6], [sflag:$0x1] =	stream.indirect.gather [hbm4b:s11+s21], $0x40, s5, s21, $0xb8;
	[tilespmem:$0xC080] =	vst v63  }
0x88: {  	_ =	swait.ge [sflag:s29], $0x2000  }
0x89: {  	[sflag:s29] =	ssyncset.done $0x0  }
0x8a: {  	s12 =	rddreg [dreg:$0x9];
	[sflag:s29] =	ssyncadd.s32 $0xFFFFE000  }
0x8b: {  	[hbm4b:s12+s2] =	stream.linear.scatter [tilespmem:s6], [sflag:$0x9], $0x2000, $0x38;
	[tilespmem:$0xC080] =	vst v63  }
0x8c: {  	_ =	swait.ge [sflag:s20], $0x2000  }
0x8d: {  	[sflag:s20] =	ssyncset.done $0x0  }
0x8e: {  	s9 =	rddreg [dreg:$0xa];
	[sflag:s20] =	ssyncadd.s32 $0xFFFFE000  }
0x8f: {  	[tilespmem:s5], [sflag:$0x9] =	stream.linear.gather [hbm4b:s9+s2], $0x80, $0x38;
	[tilespmem:$0xC080] =	vst v63  }
0x90: {  	_ =	swait.ge [sflag:s20], $0x80  }
0x91: {  	[sflag:s20] =	ssyncset.done $0x0  }
0x92: {  	s10 =	rddreg [dreg:$0x6];
	[sflag:s20] =	ssyncadd.s32 $0xFFFFFF80  }
0x93: {  	[tilespmem:s6], [sflag:$0x1] =	stream.indirect.gather [hbm4b:s10+s21], $0x40, s5, s21, $0xb8;
	[tilespmem:$0xC080] =	vst v63  }
0x94: {  	_ =	swait.ge [sflag:s29], $0x2000  }
0x95: {  	[sflag:s29] =	ssyncset.done $0x0  }
0x96: {  	s11 =	rddreg [dreg:$0xb];
	[sflag:s29] =	ssyncadd.s32 $0xFFFFE000  }
0x97: {  	[hbm4b:s11+s2] =	stream.linear.scatter [tilespmem:s6], [sflag:$0x9], $0x2000, $0x38;
	[tilespmem:$0xC080] =	vst v63  }
0x98: {  	_ =	swait.ge [sflag:s20], $0x2000  }
0x99: {  	s7 =	sadd.s32 $0x1, s7;
	s12 =	rddreg [dreg:$0xc]  }
0x9a: {  	p0 =	sne.s32 s7, s12  }
.Ltmp1:
0x9b: {  	_ = 	snop;
	(pc) =	sbr.rel @p0 .LBB2_1-.Ltmp1, $3  }
0x9c: {  	_ =	sdelay $0x1  }
0x9d: {  	[sflag:s20] =	ssyncset.done $0x0  }
0x9e: {  	[sflag:s20] =	ssyncadd.s32 $0xFFFFE000  }
0x9f: {  	_ =	sfence.sel $0x180000  }
0xa0: {  	[bflag:$0x0] =	sbarrier.arrive $0xFFFF  }
0xa1: {  	_ =	strace $0x90000047  }
0xa2: {  	s0 =	stileid.u32;
	[bflag:$0x2] =	sbarrier.arrive $0xFFFF  }
0xa3: {  	p0 =	sne.s32 s0, $0x0;
	s0 =	rddreg [dreg:$0x4]  }
0xa4: {  	s0 =	sadd.s32 @!p0 $0x100000, s0  }
0xa5: {  	[sflag:s0] =	ssyncadd.tile.s32 @!p0 $0x1;
	_ =	shalt  }
.Lfunc_end2:
_tile_overlayer_lowered:
.L_overlay_start_2:
0xa6: {  	(tag) =	ssettag $0x2  }
0xa7: {  	s0 =	rddreg [dreg:$0x0];
	s2 =	stileid.u32  }
0xa8: {  	s1 =	rddreg [dreg:$0x1];
	p0 =	sne.s32 s2, $0x0  }
0xa9: {  	s3 =	rddreg [dreg:$0x2];
	[bflag:$0x3] =	sbarrier.arrive $0xFFFF;
	s2 =	simm.s32 @!p0 $0x1C09  }
0xaa: {  	[timem:s3], [sflag:s2] =	dma.local @!p0 [hbm:s0], s1  }
0xab: {  	s0 =	simm.s32 @!p0 $0x9  }
0xac: {  	_ =	swait.ge @!p0 [sflag:s0], s1  }
0xad: {  	s1 =	ssub.s32 @!p0 $0x0, s1;
	[sflag:s0] =	ssyncset.done @!p0 $0x0  }
0xae: {  	[sflag:s0] =	ssyncadd.s32 @!p0 s1  }
0xaf: {  	[bflag:$0x3] =	sbarrier.arrive $0xFFFF  }
0xb0: {  	_ =	shalt  }

</sc_bundles>
